<compile_context>
chip_gen: v7x
topology: tpu7x:2x2x1
jax: 0.10.2.dev20260603
libtpu: 0.0.44.dev20260713+nightly
codegen_flags: <defaults>
</compile_context>

<pallas_src>
import functools

import jax
import jax.numpy as jnp
from jax import lax
from jax.experimental import pallas as pl
from jax.experimental.pallas import tpu as pltpu
from jax.experimental.pallas import tpu_sc as plsc

EMBED_D = 64
BATCH = 4096
SEQ = 200
NUM_WORKERS = 32
ROWS_PER_W = BATCH // NUM_WORKERS
NB = 8
NGROUP = ROWS_PER_W // NB

_mesh = plsc.VectorSubcoreMesh(core_axis_name="c", subcore_axis_name="s")


@functools.partial(
    pl.kernel,
    mesh=_mesh,
    out_type=jax.ShapeDtypeStruct((BATCH, SEQ, EMBED_D), jnp.float32),
    scratch_types=[
        pltpu.VMEM((ROWS_PER_W, SEQ), jnp.int32),
        [pltpu.VMEM((SEQ, EMBED_D), jnp.float32) for _ in range(NB)],
        [pltpu.SemaphoreType.DMA for _ in range(NB)],
        [pltpu.SemaphoreType.DMA for _ in range(NB)],
    ],
    compiler_params=pltpu.CompilerParams(use_tc_tiling_on_sc=False),
)
def _gather_kernel(table_hbm, x_hbm, out_hbm, idx_v, rows, gsem, ssem):
    wid = lax.axis_index("s") * 2 + lax.axis_index("c")
    base = wid * ROWS_PER_W
    pltpu.sync_copy(x_hbm.at[pl.ds(base, ROWS_PER_W)], idx_v)

    def gather(r, b):
        return pltpu.make_async_copy(table_hbm.at[idx_v.at[r]], rows[b], gsem[b])

    def store(r, b):
        return pltpu.make_async_copy(rows[b], out_hbm.at[base + r], ssem[b])

    def body(p, _):
        r0 = p * NB
        for b in range(NB):
            @pl.when(p > 0)
            def _():
                store(r0 + b - NB, b).wait()
            gather(r0 + b, b).start()
        for b in range(NB):
            gather(r0 + b, b).wait()
            store(r0 + b, b).start()
        return ()

    lax.fori_loop(0, NGROUP, body, ())
    for b in range(NB):
        store(ROWS_PER_W - NB + b, b).wait()


def kernel(x, embeddings):
    return _gather_kernel(embeddings, x)

# --- scband reference (transcript-rebuilt; emitter-appended) ---
"""Pipeline reference for scband-embeddings-81836306858471 (READ-ONLY COPY).

The authoritative reference and input builder live on the scoring server;
editing this copy changes nothing except your own understanding.
"""

import jax, jax.numpy as jnp
import numpy as np

VOCAB_SIZE = 1000000
EMBEDDING_DIM = 64
BATCH = 4096
SEQ_LEN = 200


def xavier_uniform(key, shape, dtype=jnp.float32):
    fan_in, fan_out = (shape[0], shape[-1])
    scale = jnp.sqrt(6.0 / (fan_in + fan_out))
    return jax.random.uniform(key, shape, dtype, -scale, scale)


def setup_inputs(seed: int = 0) -> dict:
    key = jax.random.key(seed)
    k_idx, k_emb = jax.random.split(key)
    x = jax.random.randint(k_idx, (BATCH, SEQ_LEN), 0, VOCAB_SIZE, dtype=jnp.int64 if jax.config.jax_enable_x64 else jnp.int32)
    embeddings = xavier_uniform(k_emb, (VOCAB_SIZE, EMBEDDING_DIM))
    return {"x": x, "embeddings": embeddings}


def reference(x, embeddings):
    # Faithful translation of Embeddings.__call__: gather rows of the table.
    # x: int[batch, seq_len] -> out: float32[batch, seq_len, embedding_dim]
    return embeddings[x]

if __name__ == "__main__":
    import jax
    _d = setup_inputs()
    print(jax.jit(kernel)(*tuple(_d.values())))

</pallas_src>

<mosaic_0001>
#map = affine_map<(d0, d1) -> (0, 0)>
#map1 = affine_map<(d0, d1) -> (0, 0, 0)>
module attributes {stable_mosaic.version = 14 : i64} {
  func.func @_gather_kernel(%arg0: i32, %arg1: i32, %arg2: memref<1000000x64xf32, #tpu.memory_space<hbm>>, %arg3: memref<4096x200xi32, #tpu.memory_space<hbm>>, %arg4: memref<4096x200x64xf32, #tpu.memory_space<hbm>>, %arg5: memref<128x200xi32, #tpu.memory_space<vmem>>, %arg6: memref<200x64xf32, #tpu.memory_space<vmem>>, %arg7: memref<200x64xf32, #tpu.memory_space<vmem>>, %arg8: memref<200x64xf32, #tpu.memory_space<vmem>>, %arg9: memref<200x64xf32, #tpu.memory_space<vmem>>, %arg10: memref<200x64xf32, #tpu.memory_space<vmem>>, %arg11: memref<200x64xf32, #tpu.memory_space<vmem>>, %arg12: memref<200x64xf32, #tpu.memory_space<vmem>>, %arg13: memref<200x64xf32, #tpu.memory_space<vmem>>, %arg14: memref<!tpu.dma_semaphore, #tpu.memory_space<semaphore_mem>>, %arg15: memref<!tpu.dma_semaphore, #tpu.memory_space<semaphore_mem>>, %arg16: memref<!tpu.dma_semaphore, #tpu.memory_space<semaphore_mem>>, %arg17: memref<!tpu.dma_semaphore, #tpu.memory_space<semaphore_mem>>, %arg18: memref<!tpu.dma_semaphore, #tpu.memory_space<semaphore_mem>>, %arg19: memref<!tpu.dma_semaphore, #tpu.memory_space<semaphore_mem>>, %arg20: memref<!tpu.dma_semaphore, #tpu.memory_space<semaphore_mem>>, %arg21: memref<!tpu.dma_semaphore, #tpu.memory_space<semaphore_mem>>, %arg22: memref<!tpu.dma_semaphore, #tpu.memory_space<semaphore_mem>>, %arg23: memref<!tpu.dma_semaphore, #tpu.memory_space<semaphore_mem>>, %arg24: memref<!tpu.dma_semaphore, #tpu.memory_space<semaphore_mem>>, %arg25: memref<!tpu.dma_semaphore, #tpu.memory_space<semaphore_mem>>, %arg26: memref<!tpu.dma_semaphore, #tpu.memory_space<semaphore_mem>>, %arg27: memref<!tpu.dma_semaphore, #tpu.memory_space<semaphore_mem>>, %arg28: memref<!tpu.dma_semaphore, #tpu.memory_space<semaphore_mem>>, %arg29: memref<!tpu.dma_semaphore, #tpu.memory_space<semaphore_mem>>) attributes {dimension_semantics = [#tpu.dimension_semantics<core_parallel>, #tpu.dimension_semantics<subcore_parallel>], iteration_bounds = array<i64: 2, 16>, scalar_prefetch = 0 : i64, scratch_operands = 25 : i64, tpu.core_type = #tpu.core_type<sc_vector_subcore>, window_params = [{transform_indices = #map}, {transform_indices = #map}, {transform_indices = #map1}]} {
    %mul3A = arith.constant 2 : i32
    %mul3A_0 = arith.muli %arg1, %mul3A : i32
    %add3A = arith.addi %mul3A_0, %arg0 : i32
    %mul3A_1 = arith.constant 128 : i32
    %mul3A_2 = arith.muli %add3A, %mul3A_1 : i32
    "tpu.region"() ({
      %run_scoped3A = tpu.sem_alloc : memref<!tpu.dma_semaphore, #tpu.memory_space<semaphore_mem>>
      %dma_start3A = arith.constant 0 : i32
      %dma_start3A_86 = tpu.memref_slice %arg3[%mul3A_2, %dma_start3A] : memref<4096x200xi32, #tpu.memory_space<hbm>> -> memref<128x200xi32, #tpu.memory_space<hbm>>
      %dma_start3A_87 = arith.constant 0 : i32
      %dma_start3A_88 = tpu.memref_slice %arg3[%mul3A_2, %dma_start3A_87] : memref<4096x200xi32, #tpu.memory_space<hbm>> -> memref<128x200xi32, #tpu.memory_space<hbm>>
      tpu.enqueue_dma source(%dma_start3A_88 : memref<128x200xi32, #tpu.memory_space<hbm>>) target(%arg5 : memref<128x200xi32, #tpu.memory_space<vmem>>) target_semaphore(%run_scoped3A : memref<!tpu.dma_semaphore, #tpu.memory_space<semaphore_mem>>)
      %dma_wait3A_89 = arith.constant 0 : i32
      %dma_wait3A_90 = tpu.memref_slice %arg3[%mul3A_2, %dma_wait3A_89] : memref<4096x200xi32, #tpu.memory_space<hbm>> -> memref<128x200xi32, #tpu.memory_space<hbm>>
      %dma_wait3A_91 = arith.constant 0 : i32
      %dma_wait3A_92 = tpu.memref_slice %arg3[%mul3A_2, %dma_wait3A_91] : memref<4096x200xi32, #tpu.memory_space<hbm>> -> memref<128x200xi32, #tpu.memory_space<hbm>>
      tpu.wait_dma2 semaphore(%run_scoped3A : memref<!tpu.dma_semaphore, #tpu.memory_space<semaphore_mem>>) src(%dma_wait3A_92 : memref<128x200xi32, #tpu.memory_space<hbm>>) dst(%arg5 : memref<128x200xi32, #tpu.memory_space<vmem>>)
      tpu.yield
    }) : () -> ()
    %scan3A = arith.constant 0 : i32
    %scan3A_3 = arith.constant 16 : i32
    %scan3A_4 = arith.addi %scan3A, %scan3A_3 : i32
    %scan3A_5 = arith.constant 1 : i32
    scf.for %scan3A_86 = %scan3A to %scan3A_4 step %scan3A_5  : i32 {
      %mul3A_87 = arith.constant 8 : i32
      %mul3A_88 = arith.muli %scan3A_86, %mul3A_87 : i32
      %gt3A = arith.constant 0 : i32
      %gt3A_89 = arith.cmpi sgt, %scan3A_86, %gt3A : i32
      %convert_element_type3A = arith.extui %gt3A_89 : i1 to i32
      %cond3A = arith.constant 0 : i32
      %cond3A_90 = arith.cmpi ne, %convert_element_type3A, %cond3A : i32
      scf.if %cond3A_90 {
        %add3A_341 = arith.constant 0 : i32
        %add3A_342 = arith.addi %mul3A_88, %add3A_341 : i32
        %sub3A = arith.constant 8 : i32
        %sub3A_343 = arith.subi %add3A_342, %sub3A : i32
        %add3A_344 = arith.addi %mul3A_2, %sub3A_343 : i32
        %dma_wait3A_345 = arith.constant 0 : i32
        %dma_wait3A_346 = arith.constant 0 : i32
        %dma_wait3A_347 = tpu.memref_slice %arg4[%add3A_344, %dma_wait3A_345, %dma_wait3A_346] : memref<4096x200x64xf32, #tpu.memory_space<hbm>> -> memref<1x200x64xf32, #tpu.memory_space<hbm>>
        %dma_wait3A_348 = tpu.memref_squeeze %dma_wait3A_347 : memref<1x200x64xf32, #tpu.memory_space<hbm>> -> memref<200x64xf32, #tpu.memory_space<hbm>>
        %dma_wait3A_349 = arith.constant 0 : i32
        %dma_wait3A_350 = arith.constant 0 : i32
        %dma_wait3A_351 = tpu.memref_slice %arg4[%add3A_344, %dma_wait3A_349, %dma_wait3A_350] : memref<4096x200x64xf32, #tpu.memory_space<hbm>> -> memref<1x200x64xf32, #tpu.memory_space<hbm>>
        %dma_wait3A_352 = tpu.memref_squeeze %dma_wait3A_351 : memref<1x200x64xf32, #tpu.memory_space<hbm>> -> memref<200x64xf32, #tpu.memory_space<hbm>>
        tpu.wait_dma2 semaphore(%arg22 : memref<!tpu.dma_semaphore, #tpu.memory_space<semaphore_mem>>) src(%arg6 : memref<200x64xf32, #tpu.memory_space<vmem>>) dst(%dma_wait3A_352 : memref<200x64xf32, #tpu.memory_space<hbm>>)
      } else {
      }
      %add3A_91 = arith.constant 0 : i32
      %add3A_92 = arith.addi %mul3A_88, %add3A_91 : i32
      %dma_start3A = arith.constant 0 : i32
      %dma_start3A_93 = tpu.memref_slice %arg5[%add3A_92, %dma_start3A] : memref<128x200xi32, #tpu.memory_space<vmem>> -> memref<1x200xi32, #tpu.memory_space<vmem>>
      %dma_start3A_94 = tpu.memref_squeeze %dma_start3A_93 : memref<1x200xi32, #tpu.memory_space<vmem>> -> memref<200xi32, #tpu.memory_space<vmem>>
      %dma_start3A_95 = arith.constant 0 : i32
      %dma_start3A_96 = arith.constant 0 : i32
      %dma_start3A_97 = tpu.memref_slice %arg2[%dma_start3A_95, %dma_start3A_96] : memref<1000000x64xf32, #tpu.memory_space<hbm>> -> memref<1000000x64xf32, #tpu.memory_space<hbm>>
      tpu.enqueue_indirect_dma source(%dma_start3A_97 : memref<1000000x64xf32, #tpu.memory_space<hbm>>) target(%arg6 : memref<200x64xf32, #tpu.memory_space<vmem>>) offsets(%dma_start3A_94 : memref<200xi32, #tpu.memory_space<vmem>>) semaphore(%arg14 : memref<!tpu.dma_semaphore, #tpu.memory_space<semaphore_mem>>)
      %gt3A_98 = arith.constant 0 : i32
      %gt3A_99 = arith.cmpi sgt, %scan3A_86, %gt3A_98 : i32
      %convert_element_type3A_100 = arith.extui %gt3A_99 : i1 to i32
      %cond3A_101 = arith.constant 0 : i32
      %cond3A_102 = arith.cmpi ne, %convert_element_type3A_100, %cond3A_101 : i32
      scf.if %cond3A_102 {
        %add3A_341 = arith.constant 1 : i32
        %add3A_342 = arith.addi %mul3A_88, %add3A_341 : i32
        %sub3A = arith.constant 8 : i32
        %sub3A_343 = arith.subi %add3A_342, %sub3A : i32
        %add3A_344 = arith.addi %mul3A_2, %sub3A_343 : i32
        %dma_wait3A_345 = arith.constant 0 : i32
        %dma_wait3A_346 = arith.constant 0 : i32
        %dma_wait3A_347 = tpu.memref_slice %arg4[%add3A_344, %dma_wait3A_345, %dma_wait3A_346] : memref<4096x200x64xf32, #tpu.memory_space<hbm>> -> memref<1x200x64xf32, #tpu.memory_space<hbm>>
        %dma_wait3A_348 = tpu.memref_squeeze %dma_wait3A_347 : memref<1x200x64xf32, #tpu.memory_space<hbm>> -> memref<200x64xf32, #tpu.memory_space<hbm>>
        %dma_wait3A_349 = arith.constant 0 : i32
        %dma_wait3A_350 = arith.constant 0 : i32
        %dma_wait3A_351 = tpu.memref_slice %arg4[%add3A_344, %dma_wait3A_349, %dma_wait3A_350] : memref<4096x200x64xf32, #tpu.memory_space<hbm>> -> memref<1x200x64xf32, #tpu.memory_space<hbm>>
        %dma_wait3A_352 = tpu.memref_squeeze %dma_wait3A_351 : memref<1x200x64xf32, #tpu.memory_space<hbm>> -> memref<200x64xf32, #tpu.memory_space<hbm>>
        tpu.wait_dma2 semaphore(%arg23 : memref<!tpu.dma_semaphore, #tpu.memory_space<semaphore_mem>>) src(%arg7 : memref<200x64xf32, #tpu.memory_space<vmem>>) dst(%dma_wait3A_352 : memref<200x64xf32, #tpu.memory_space<hbm>>)
      } else {
      }
      %add3A_103 = arith.constant 1 : i32
      %add3A_104 = arith.addi %mul3A_88, %add3A_103 : i32
      %dma_start3A_105 = arith.constant 0 : i32
      %dma_start3A_106 = tpu.memref_slice %arg5[%add3A_104, %dma_start3A_105] : memref<128x200xi32, #tpu.memory_space<vmem>> -> memref<1x200xi32, #tpu.memory_space<vmem>>
      %dma_start3A_107 = tpu.memref_squeeze %dma_start3A_106 : memref<1x200xi32, #tpu.memory_space<vmem>> -> memref<200xi32, #tpu.memory_space<vmem>>
      %dma_start3A_108 = arith.constant 0 : i32
      %dma_start3A_109 = arith.constant 0 : i32
      %dma_start3A_110 = tpu.memref_slice %arg2[%dma_start3A_108, %dma_start3A_109] : memref<1000000x64xf32, #tpu.memory_space<hbm>> -> memref<1000000x64xf32, #tpu.memory_space<hbm>>
      tpu.enqueue_indirect_dma source(%dma_start3A_110 : memref<1000000x64xf32, #tpu.memory_space<hbm>>) target(%arg7 : memref<200x64xf32, #tpu.memory_space<vmem>>) offsets(%dma_start3A_107 : memref<200xi32, #tpu.memory_space<vmem>>) semaphore(%arg15 : memref<!tpu.dma_semaphore, #tpu.memory_space<semaphore_mem>>)
      %gt3A_111 = arith.constant 0 : i32
      %gt3A_112 = arith.cmpi sgt, %scan3A_86, %gt3A_111 : i32
      %convert_element_type3A_113 = arith.extui %gt3A_112 : i1 to i32
      %cond3A_114 = arith.constant 0 : i32
      %cond3A_115 = arith.cmpi ne, %convert_element_type3A_113, %cond3A_114 : i32
      scf.if %cond3A_115 {
        %add3A_341 = arith.constant 2 : i32
        %add3A_342 = arith.addi %mul3A_88, %add3A_341 : i32
        %sub3A = arith.constant 8 : i32
        %sub3A_343 = arith.subi %add3A_342, %sub3A : i32
        %add3A_344 = arith.addi %mul3A_2, %sub3A_343 : i32
        %dma_wait3A_345 = arith.constant 0 : i32
        %dma_wait3A_346 = arith.constant 0 : i32
        %dma_wait3A_347 = tpu.memref_slice %arg4[%add3A_344, %dma_wait3A_345, %dma_wait3A_346] : memref<4096x200x64xf32, #tpu.memory_space<hbm>> -> memref<1x200x64xf32, #tpu.memory_space<hbm>>
        %dma_wait3A_348 = tpu.memref_squeeze %dma_wait3A_347 : memref<1x200x64xf32, #tpu.memory_space<hbm>> -> memref<200x64xf32, #tpu.memory_space<hbm>>
        %dma_wait3A_349 = arith.constant 0 : i32
        %dma_wait3A_350 = arith.constant 0 : i32
        %dma_wait3A_351 = tpu.memref_slice %arg4[%add3A_344, %dma_wait3A_349, %dma_wait3A_350] : memref<4096x200x64xf32, #tpu.memory_space<hbm>> -> memref<1x200x64xf32, #tpu.memory_space<hbm>>
        %dma_wait3A_352 = tpu.memref_squeeze %dma_wait3A_351 : memref<1x200x64xf32, #tpu.memory_space<hbm>> -> memref<200x64xf32, #tpu.memory_space<hbm>>
        tpu.wait_dma2 semaphore(%arg24 : memref<!tpu.dma_semaphore, #tpu.memory_space<semaphore_mem>>) src(%arg8 : memref<200x64xf32, #tpu.memory_space<vmem>>) dst(%dma_wait3A_352 : memref<200x64xf32, #tpu.memory_space<hbm>>)
      } else {
      }
      %add3A_116 = arith.constant 2 : i32
      %add3A_117 = arith.addi %mul3A_88, %add3A_116 : i32
      %dma_start3A_118 = arith.constant 0 : i32
      %dma_start3A_119 = tpu.memref_slice %arg5[%add3A_117, %dma_start3A_118] : memref<128x200xi32, #tpu.memory_space<vmem>> -> memref<1x200xi32, #tpu.memory_space<vmem>>
      %dma_start3A_120 = tpu.memref_squeeze %dma_start3A_119 : memref<1x200xi32, #tpu.memory_space<vmem>> -> memref<200xi32, #tpu.memory_space<vmem>>
      %dma_start3A_121 = arith.constant 0 : i32
      %dma_start3A_122 = arith.constant 0 : i32
      %dma_start3A_123 = tpu.memref_slice %arg2[%dma_start3A_121, %dma_start3A_122] : memref<1000000x64xf32, #tpu.memory_space<hbm>> -> memref<1000000x64xf32, #tpu.memory_space<hbm>>
      tpu.enqueue_indirect_dma source(%dma_start3A_123 : memref<1000000x64xf32, #tpu.memory_space<hbm>>) target(%arg8 : memref<200x64xf32, #tpu.memory_space<vmem>>) offsets(%dma_start3A_120 : memref<200xi32, #tpu.memory_space<vmem>>) semaphore(%arg16 : memref<!tpu.dma_semaphore, #tpu.memory_space<semaphore_mem>>)
      %gt3A_124 = arith.constant 0 : i32
      %gt3A_125 = arith.cmpi sgt, %scan3A_86, %gt3A_124 : i32
      %convert_element_type3A_126 = arith.extui %gt3A_125 : i1 to i32
      %cond3A_127 = arith.constant 0 : i32
      %cond3A_128 = arith.cmpi ne, %convert_element_type3A_126, %cond3A_127 : i32
      scf.if %cond3A_128 {
        %add3A_341 = arith.constant 3 : i32
        %add3A_342 = arith.addi %mul3A_88, %add3A_341 : i32
        %sub3A = arith.constant 8 : i32
        %sub3A_343 = arith.subi %add3A_342, %sub3A : i32
        %add3A_344 = arith.addi %mul3A_2, %sub3A_343 : i32
        %dma_wait3A_345 = arith.constant 0 : i32
        %dma_wait3A_346 = arith.constant 0 : i32
        %dma_wait3A_347 = tpu.memref_slice %arg4[%add3A_344, %dma_wait3A_345, %dma_wait3A_346] : memref<4096x200x64xf32, #tpu.memory_space<hbm>> -> memref<1x200x64xf32, #tpu.memory_space<hbm>>
        %dma_wait3A_348 = tpu.memref_squeeze %dma_wait3A_347 : memref<1x200x64xf32, #tpu.memory_space<hbm>> -> memref<200x64xf32, #tpu.memory_space<hbm>>
        %dma_wait3A_349 = arith.constant 0 : i32
        %dma_wait3A_350 = arith.constant 0 : i32
        %dma_wait3A_351 = tpu.memref_slice %arg4[%add3A_344, %dma_wait3A_349, %dma_wait3A_350] : memref<4096x200x64xf32, #tpu.memory_space<hbm>> -> memref<1x200x64xf32, #tpu.memory_space<hbm>>
        %dma_wait3A_352 = tpu.memref_squeeze %dma_wait3A_351 : memref<1x200x64xf32, #tpu.memory_space<hbm>> -> memref<200x64xf32, #tpu.memory_space<hbm>>
        tpu.wait_dma2 semaphore(%arg25 : memref<!tpu.dma_semaphore, #tpu.memory_space<semaphore_mem>>) src(%arg9 : memref<200x64xf32, #tpu.memory_space<vmem>>) dst(%dma_wait3A_352 : memref<200x64xf32, #tpu.memory_space<hbm>>)
      } else {
      }
      %add3A_129 = arith.constant 3 : i32
      %add3A_130 = arith.addi %mul3A_88, %add3A_129 : i32
      %dma_start3A_131 = arith.constant 0 : i32
      %dma_start3A_132 = tpu.memref_slice %arg5[%add3A_130, %dma_start3A_131] : memref<128x200xi32, #tpu.memory_space<vmem>> -> memref<1x200xi32, #tpu.memory_space<vmem>>
      %dma_start3A_133 = tpu.memref_squeeze %dma_start3A_132 : memref<1x200xi32, #tpu.memory_space<vmem>> -> memref<200xi32, #tpu.memory_space<vmem>>
      %dma_start3A_134 = arith.constant 0 : i32
      %dma_start3A_135 = arith.constant 0 : i32
      %dma_start3A_136 = tpu.memref_slice %arg2[%dma_start3A_134, %dma_start3A_135] : memref<1000000x64xf32, #tpu.memory_space<hbm>> -> memref<1000000x64xf32, #tpu.memory_space<hbm>>
      tpu.enqueue_indirect_dma source(%dma_start3A_136 : memref<1000000x64xf32, #tpu.memory_space<hbm>>) target(%arg9 : memref<200x64xf32, #tpu.memory_space<vmem>>) offsets(%dma_start3A_133 : memref<200xi32, #tpu.memory_space<vmem>>) semaphore(%arg17 : memref<!tpu.dma_semaphore, #tpu.memory_space<semaphore_mem>>)
      %gt3A_137 = arith.constant 0 : i32
      %gt3A_138 = arith.cmpi sgt, %scan3A_86, %gt3A_137 : i32
      %convert_element_type3A_139 = arith.extui %gt3A_138 : i1 to i32
      %cond3A_140 = arith.constant 0 : i32
      %cond3A_141 = arith.cmpi ne, %convert_element_type3A_139, %cond3A_140 : i32
      scf.if %cond3A_141 {
        %add3A_341 = arith.constant 4 : i32
        %add3A_342 = arith.addi %mul3A_88, %add3A_341 : i32
        %sub3A = arith.constant 8 : i32
        %sub3A_343 = arith.subi %add3A_342, %sub3A : i32
        %add3A_344 = arith.addi %mul3A_2, %sub3A_343 : i32
        %dma_wait3A_345 = arith.constant 0 : i32
        %dma_wait3A_346 = arith.constant 0 : i32
        %dma_wait3A_347 = tpu.memref_slice %arg4[%add3A_344, %dma_wait3A_345, %dma_wait3A_346] : memref<4096x200x64xf32, #tpu.memory_space<hbm>> -> memref<1x200x64xf32, #tpu.memory_space<hbm>>
        %dma_wait3A_348 = tpu.memref_squeeze %dma_wait3A_347 : memref<1x200x64xf32, #tpu.memory_space<hbm>> -> memref<200x64xf32, #tpu.memory_space<hbm>>
        %dma_wait3A_349 = arith.constant 0 : i32
        %dma_wait3A_350 = arith.constant 0 : i32
        %dma_wait3A_351 = tpu.memref_slice %arg4[%add3A_344, %dma_wait3A_349, %dma_wait3A_350] : memref<4096x200x64xf32, #tpu.memory_space<hbm>> -> memref<1x200x64xf32, #tpu.memory_space<hbm>>
        %dma_wait3A_352 = tpu.memref_squeeze %dma_wait3A_351 : memref<1x200x64xf32, #tpu.memory_space<hbm>> -> memref<200x64xf32, #tpu.memory_space<hbm>>
        tpu.wait_dma2 semaphore(%arg26 : memref<!tpu.dma_semaphore, #tpu.memory_space<semaphore_mem>>) src(%arg10 : memref<200x64xf32, #tpu.memory_space<vmem>>) dst(%dma_wait3A_352 : memref<200x64xf32, #tpu.memory_space<hbm>>)
      } else {
      }
      %add3A_142 = arith.constant 4 : i32
      %add3A_143 = arith.addi %mul3A_88, %add3A_142 : i32
      %dma_start3A_144 = arith.constant 0 : i32
      %dma_start3A_145 = tpu.memref_slice %arg5[%add3A_143, %dma_start3A_144] : memref<128x200xi32, #tpu.memory_space<vmem>> -> memref<1x200xi32, #tpu.memory_space<vmem>>
      %dma_start3A_146 = tpu.memref_squeeze %dma_start3A_145 : memref<1x200xi32, #tpu.memory_space<vmem>> -> memref<200xi32, #tpu.memory_space<vmem>>
      %dma_start3A_147 = arith.constant 0 : i32
      %dma_start3A_148 = arith.constant 0 : i32
      %dma_start3A_149 = tpu.memref_slice %arg2[%dma_start3A_147, %dma_start3A_148] : memref<1000000x64xf32, #tpu.memory_space<hbm>> -> memref<1000000x64xf32, #tpu.memory_space<hbm>>
      tpu.enqueue_indirect_dma source(%dma_start3A_149 : memref<1000000x64xf32, #tpu.memory_space<hbm>>) target(%arg10 : memref<200x64xf32, #tpu.memory_space<vmem>>) offsets(%dma_start3A_146 : memref<200xi32, #tpu.memory_space<vmem>>) semaphore(%arg18 : memref<!tpu.dma_semaphore, #tpu.memory_space<semaphore_mem>>)
      %gt3A_150 = arith.constant 0 : i32
      %gt3A_151 = arith.cmpi sgt, %scan3A_86, %gt3A_150 : i32
      %convert_element_type3A_152 = arith.extui %gt3A_151 : i1 to i32
      %cond3A_153 = arith.constant 0 : i32
      %cond3A_154 = arith.cmpi ne, %convert_element_type3A_152, %cond3A_153 : i32
      scf.if %cond3A_154 {
        %add3A_341 = arith.constant 5 : i32
        %add3A_342 = arith.addi %mul3A_88, %add3A_341 : i32
        %sub3A = arith.constant 8 : i32
        %sub3A_343 = arith.subi %add3A_342, %sub3A : i32
        %add3A_344 = arith.addi %mul3A_2, %sub3A_343 : i32
        %dma_wait3A_345 = arith.constant 0 : i32
        %dma_wait3A_346 = arith.constant 0 : i32
        %dma_wait3A_347 = tpu.memref_slice %arg4[%add3A_344, %dma_wait3A_345, %dma_wait3A_346] : memref<4096x200x64xf32, #tpu.memory_space<hbm>> -> memref<1x200x64xf32, #tpu.memory_space<hbm>>
        %dma_wait3A_348 = tpu.memref_squeeze %dma_wait3A_347 : memref<1x200x64xf32, #tpu.memory_space<hbm>> -> memref<200x64xf32, #tpu.memory_space<hbm>>
        %dma_wait3A_349 = arith.constant 0 : i32
        %dma_wait3A_350 = arith.constant 0 : i32
        %dma_wait3A_351 = tpu.memref_slice %arg4[%add3A_344, %dma_wait3A_349, %dma_wait3A_350] : memref<4096x200x64xf32, #tpu.memory_space<hbm>> -> memref<1x200x64xf32, #tpu.memory_space<hbm>>
        %dma_wait3A_352 = tpu.memref_squeeze %dma_wait3A_351 : memref<1x200x64xf32, #tpu.memory_space<hbm>> -> memref<200x64xf32, #tpu.memory_space<hbm>>
        tpu.wait_dma2 semaphore(%arg27 : memref<!tpu.dma_semaphore, #tpu.memory_space<semaphore_mem>>) src(%arg11 : memref<200x64xf32, #tpu.memory_space<vmem>>) dst(%dma_wait3A_352 : memref<200x64xf32, #tpu.memory_space<hbm>>)
      } else {
      }
      %add3A_155 = arith.constant 5 : i32
      %add3A_156 = arith.addi %mul3A_88, %add3A_155 : i32
      %dma_start3A_157 = arith.constant 0 : i32
      %dma_start3A_158 = tpu.memref_slice %arg5[%add3A_156, %dma_start3A_157] : memref<128x200xi32, #tpu.memory_space<vmem>> -> memref<1x200xi32, #tpu.memory_space<vmem>>
      %dma_start3A_159 = tpu.memref_squeeze %dma_start3A_158 : memref<1x200xi32, #tpu.memory_space<vmem>> -> memref<200xi32, #tpu.memory_space<vmem>>
      %dma_start3A_160 = arith.constant 0 : i32
      %dma_start3A_161 = arith.constant 0 : i32
      %dma_start3A_162 = tpu.memref_slice %arg2[%dma_start3A_160, %dma_start3A_161] : memref<1000000x64xf32, #tpu.memory_space<hbm>> -> memref<1000000x64xf32, #tpu.memory_space<hbm>>
      tpu.enqueue_indirect_dma source(%dma_start3A_162 : memref<1000000x64xf32, #tpu.memory_space<hbm>>) target(%arg11 : memref<200x64xf32, #tpu.memory_space<vmem>>) offsets(%dma_start3A_159 : memref<200xi32, #tpu.memory_space<vmem>>) semaphore(%arg19 : memref<!tpu.dma_semaphore, #tpu.memory_space<semaphore_mem>>)
      %gt3A_163 = arith.constant 0 : i32
      %gt3A_164 = arith.cmpi sgt, %scan3A_86, %gt3A_163 : i32
      %convert_element_type3A_165 = arith.extui %gt3A_164 : i1 to i32
      %cond3A_166 = arith.constant 0 : i32
      %cond3A_167 = arith.cmpi ne, %convert_element_type3A_165, %cond3A_166 : i32
      scf.if %cond3A_167 {
        %add3A_341 = arith.constant 6 : i32
        %add3A_342 = arith.addi %mul3A_88, %add3A_341 : i32
        %sub3A = arith.constant 8 : i32
        %sub3A_343 = arith.subi %add3A_342, %sub3A : i32
        %add3A_344 = arith.addi %mul3A_2, %sub3A_343 : i32
        %dma_wait3A_345 = arith.constant 0 : i32
        %dma_wait3A_346 = arith.constant 0 : i32
        %dma_wait3A_347 = tpu.memref_slice %arg4[%add3A_344, %dma_wait3A_345, %dma_wait3A_346] : memref<4096x200x64xf32, #tpu.memory_space<hbm>> -> memref<1x200x64xf32, #tpu.memory_space<hbm>>
        %dma_wait3A_348 = tpu.memref_squeeze %dma_wait3A_347 : memref<1x200x64xf32, #tpu.memory_space<hbm>> -> memref<200x64xf32, #tpu.memory_space<hbm>>
        %dma_wait3A_349 = arith.constant 0 : i32
        %dma_wait3A_350 = arith.constant 0 : i32
        %dma_wait3A_351 = tpu.memref_slice %arg4[%add3A_344, %dma_wait3A_349, %dma_wait3A_350] : memref<4096x200x64xf32, #tpu.memory_space<hbm>> -> memref<1x200x64xf32, #tpu.memory_space<hbm>>
        %dma_wait3A_352 = tpu.memref_squeeze %dma_wait3A_351 : memref<1x200x64xf32, #tpu.memory_space<hbm>> -> memref<200x64xf32, #tpu.memory_space<hbm>>
        tpu.wait_dma2 semaphore(%arg28 : memref<!tpu.dma_semaphore, #tpu.memory_space<semaphore_mem>>) src(%arg12 : memref<200x64xf32, #tpu.memory_space<vmem>>) dst(%dma_wait3A_352 : memref<200x64xf32, #tpu.memory_space<hbm>>)
      } else {
      }
      %add3A_168 = arith.constant 6 : i32
      %add3A_169 = arith.addi %mul3A_88, %add3A_168 : i32
      %dma_start3A_170 = arith.constant 0 : i32
      %dma_start3A_171 = tpu.memref_slice %arg5[%add3A_169, %dma_start3A_170] : memref<128x200xi32, #tpu.memory_space<vmem>> -> memref<1x200xi32, #tpu.memory_space<vmem>>
      %dma_start3A_172 = tpu.memref_squeeze %dma_start3A_171 : memref<1x200xi32, #tpu.memory_space<vmem>> -> memref<200xi32, #tpu.memory_space<vmem>>
      %dma_start3A_173 = arith.constant 0 : i32
      %dma_start3A_174 = arith.constant 0 : i32
      %dma_start3A_175 = tpu.memref_slice %arg2[%dma_start3A_173, %dma_start3A_174] : memref<1000000x64xf32, #tpu.memory_space<hbm>> -> memref<1000000x64xf32, #tpu.memory_space<hbm>>
      tpu.enqueue_indirect_dma source(%dma_start3A_175 : memref<1000000x64xf32, #tpu.memory_space<hbm>>) target(%arg12 : memref<200x64xf32, #tpu.memory_space<vmem>>) offsets(%dma_start3A_172 : memref<200xi32, #tpu.memory_space<vmem>>) semaphore(%arg20 : memref<!tpu.dma_semaphore, #tpu.memory_space<semaphore_mem>>)
      %gt3A_176 = arith.constant 0 : i32
      %gt3A_177 = arith.cmpi sgt, %scan3A_86, %gt3A_176 : i32
      %convert_element_type3A_178 = arith.extui %gt3A_177 : i1 to i32
      %cond3A_179 = arith.constant 0 : i32
      %cond3A_180 = arith.cmpi ne, %convert_element_type3A_178, %cond3A_179 : i32
      scf.if %cond3A_180 {
        %add3A_341 = arith.constant 7 : i32
        %add3A_342 = arith.addi %mul3A_88, %add3A_341 : i32
        %sub3A = arith.constant 8 : i32
        %sub3A_343 = arith.subi %add3A_342, %sub3A : i32
        %add3A_344 = arith.addi %mul3A_2, %sub3A_343 : i32
        %dma_wait3A_345 = arith.constant 0 : i32
        %dma_wait3A_346 = arith.constant 0 : i32
        %dma_wait3A_347 = tpu.memref_slice %arg4[%add3A_344, %dma_wait3A_345, %dma_wait3A_346] : memref<4096x200x64xf32, #tpu.memory_space<hbm>> -> memref<1x200x64xf32, #tpu.memory_space<hbm>>
        %dma_wait3A_348 = tpu.memref_squeeze %dma_wait3A_347 : memref<1x200x64xf32, #tpu.memory_space<hbm>> -> memref<200x64xf32, #tpu.memory_space<hbm>>
        %dma_wait3A_349 = arith.constant 0 : i32
        %dma_wait3A_350 = arith.constant 0 : i32
        %dma_wait3A_351 = tpu.memref_slice %arg4[%add3A_344, %dma_wait3A_349, %dma_wait3A_350] : memref<4096x200x64xf32, #tpu.memory_space<hbm>> -> memref<1x200x64xf32, #tpu.memory_space<hbm>>
        %dma_wait3A_352 = tpu.memref_squeeze %dma_wait3A_351 : memref<1x200x64xf32, #tpu.memory_space<hbm>> -> memref<200x64xf32, #tpu.memory_space<hbm>>
        tpu.wait_dma2 semaphore(%arg29 : memref<!tpu.dma_semaphore, #tpu.memory_space<semaphore_mem>>) src(%arg13 : memref<200x64xf32, #tpu.memory_space<vmem>>) dst(%dma_wait3A_352 : memref<200x64xf32, #tpu.memory_space<hbm>>)
      } else {
      }
      %add3A_181 = arith.constant 7 : i32
      %add3A_182 = arith.addi %mul3A_88, %add3A_181 : i32
      %dma_start3A_183 = arith.constant 0 : i32
      %dma_start3A_184 = tpu.memref_slice %arg5[%add3A_182, %dma_start3A_183] : memref<128x200xi32, #tpu.memory_space<vmem>> -> memref<1x200xi32, #tpu.memory_space<vmem>>
      %dma_start3A_185 = tpu.memref_squeeze %dma_start3A_184 : memref<1x200xi32, #tpu.memory_space<vmem>> -> memref<200xi32, #tpu.memory_space<vmem>>
      %dma_start3A_186 = arith.constant 0 : i32
      %dma_start3A_187 = arith.constant 0 : i32
      %dma_start3A_188 = tpu.memref_slice %arg2[%dma_start3A_186, %dma_start3A_187] : memref<1000000x64xf32, #tpu.memory_space<hbm>> -> memref<1000000x64xf32, #tpu.memory_space<hbm>>
      tpu.enqueue_indirect_dma source(%dma_start3A_188 : memref<1000000x64xf32, #tpu.memory_space<hbm>>) target(%arg13 : memref<200x64xf32, #tpu.memory_space<vmem>>) offsets(%dma_start3A_185 : memref<200xi32, #tpu.memory_space<vmem>>) semaphore(%arg21 : memref<!tpu.dma_semaphore, #tpu.memory_space<semaphore_mem>>)
      %add3A_189 = arith.constant 0 : i32
      %add3A_190 = arith.addi %mul3A_88, %add3A_189 : i32
      %dma_wait3A_191 = arith.constant 0 : i32
      %dma_wait3A_192 = tpu.memref_slice %arg5[%add3A_190, %dma_wait3A_191] : memref<128x200xi32, #tpu.memory_space<vmem>> -> memref<1x200xi32, #tpu.memory_space<vmem>>
      %dma_wait3A_193 = tpu.memref_squeeze %dma_wait3A_192 : memref<1x200xi32, #tpu.memory_space<vmem>> -> memref<200xi32, #tpu.memory_space<vmem>>
      %dma_wait3A_194 = arith.constant 0 : i32
      %dma_wait3A_195 = arith.constant 0 : i32
      %dma_wait3A_196 = tpu.memref_slice %arg2[%dma_wait3A_194, %dma_wait3A_195] : memref<1000000x64xf32, #tpu.memory_space<hbm>> -> memref<1000000x64xf32, #tpu.memory_space<hbm>>
      tpu.wait_indirect_dma semaphore(%arg14 : memref<!tpu.dma_semaphore, #tpu.memory_space<semaphore_mem>>) src(%dma_wait3A_196 : memref<1000000x64xf32, #tpu.memory_space<hbm>>) dst(%arg6 : memref<200x64xf32, #tpu.memory_space<vmem>>)
      %add3A_197 = arith.constant 0 : i32
      %add3A_198 = arith.addi %mul3A_88, %add3A_197 : i32
      %add3A_199 = arith.addi %mul3A_2, %add3A_198 : i32
      %dma_start3A_200 = arith.constant 0 : i32
      %dma_start3A_201 = arith.constant 0 : i32
      %dma_start3A_202 = tpu.memref_slice %arg4[%add3A_199, %dma_start3A_200, %dma_start3A_201] : memref<4096x200x64xf32, #tpu.memory_space<hbm>> -> memref<1x200x64xf32, #tpu.memory_space<hbm>>
      %dma_start3A_203 = tpu.memref_squeeze %dma_start3A_202 : memref<1x200x64xf32, #tpu.memory_space<hbm>> -> memref<200x64xf32, #tpu.memory_space<hbm>>
      %dma_start3A_204 = arith.constant 0 : i32
      %dma_start3A_205 = arith.constant 0 : i32
      %dma_start3A_206 = tpu.memref_slice %arg4[%add3A_199, %dma_start3A_204, %dma_start3A_205] : memref<4096x200x64xf32, #tpu.memory_space<hbm>> -> memref<1x200x64xf32, #tpu.memory_space<hbm>>
      %dma_start3A_207 = tpu.memref_squeeze %dma_start3A_206 : memref<1x200x64xf32, #tpu.memory_space<hbm>> -> memref<200x64xf32, #tpu.memory_space<hbm>>
      tpu.enqueue_dma source(%arg6 : memref<200x64xf32, #tpu.memory_space<vmem>>) target(%dma_start3A_207 : memref<200x64xf32, #tpu.memory_space<hbm>>) target_semaphore(%arg22 : memref<!tpu.dma_semaphore, #tpu.memory_space<semaphore_mem>>)
      %add3A_208 = arith.constant 1 : i32
      %add3A_209 = arith.addi %mul3A_88, %add3A_208 : i32
      %dma_wait3A_210 = arith.constant 0 : i32
      %dma_wait3A_211 = tpu.memref_slice %arg5[%add3A_209, %dma_wait3A_210] : memref<128x200xi32, #tpu.memory_space<vmem>> -> memref<1x200xi32, #tpu.memory_space<vmem>>
      %dma_wait3A_212 = tpu.memref_squeeze %dma_wait3A_211 : memref<1x200xi32, #tpu.memory_space<vmem>> -> memref<200xi32, #tpu.memory_space<vmem>>
      %dma_wait3A_213 = arith.constant 0 : i32
      %dma_wait3A_214 = arith.constant 0 : i32
      %dma_wait3A_215 = tpu.memref_slice %arg2[%dma_wait3A_213, %dma_wait3A_214] : memref<1000000x64xf32, #tpu.memory_space<hbm>> -> memref<1000000x64xf32, #tpu.memory_space<hbm>>
      tpu.wait_indirect_dma semaphore(%arg15 : memref<!tpu.dma_semaphore, #tpu.memory_space<semaphore_mem>>) src(%dma_wait3A_215 : memref<1000000x64xf32, #tpu.memory_space<hbm>>) dst(%arg7 : memref<200x64xf32, #tpu.memory_space<vmem>>)
      %add3A_216 = arith.constant 1 : i32
      %add3A_217 = arith.addi %mul3A_88, %add3A_216 : i32
      %add3A_218 = arith.addi %mul3A_2, %add3A_217 : i32
      %dma_start3A_219 = arith.constant 0 : i32
      %dma_start3A_220 = arith.constant 0 : i32
      %dma_start3A_221 = tpu.memref_slice %arg4[%add3A_218, %dma_start3A_219, %dma_start3A_220] : memref<4096x200x64xf32, #tpu.memory_space<hbm>> -> memref<1x200x64xf32, #tpu.memory_space<hbm>>
      %dma_start3A_222 = tpu.memref_squeeze %dma_start3A_221 : memref<1x200x64xf32, #tpu.memory_space<hbm>> -> memref<200x64xf32, #tpu.memory_space<hbm>>
      %dma_start3A_223 = arith.constant 0 : i32
      %dma_start3A_224 = arith.constant 0 : i32
      %dma_start3A_225 = tpu.memref_slice %arg4[%add3A_218, %dma_start3A_223, %dma_start3A_224] : memref<4096x200x64xf32, #tpu.memory_space<hbm>> -> memref<1x200x64xf32, #tpu.memory_space<hbm>>
      %dma_start3A_226 = tpu.memref_squeeze %dma_start3A_225 : memref<1x200x64xf32, #tpu.memory_space<hbm>> -> memref<200x64xf32, #tpu.memory_space<hbm>>
      tpu.enqueue_dma source(%arg7 : memref<200x64xf32, #tpu.memory_space<vmem>>) target(%dma_start3A_226 : memref<200x64xf32, #tpu.memory_space<hbm>>) target_semaphore(%arg23 : memref<!tpu.dma_semaphore, #tpu.memory_space<semaphore_mem>>)
      %add3A_227 = arith.constant 2 : i32
      %add3A_228 = arith.addi %mul3A_88, %add3A_227 : i32
      %dma_wait3A_229 = arith.constant 0 : i32
      %dma_wait3A_230 = tpu.memref_slice %arg5[%add3A_228, %dma_wait3A_229] : memref<128x200xi32, #tpu.memory_space<vmem>> -> memref<1x200xi32, #tpu.memory_space<vmem>>
      %dma_wait3A_231 = tpu.memref_squeeze %dma_wait3A_230 : memref<1x200xi32, #tpu.memory_space<vmem>> -> memref<200xi32, #tpu.memory_space<vmem>>
      %dma_wait3A_232 = arith.constant 0 : i32
      %dma_wait3A_233 = arith.constant 0 : i32
      %dma_wait3A_234 = tpu.memref_slice %arg2[%dma_wait3A_232, %dma_wait3A_233] : memref<1000000x64xf32, #tpu.memory_space<hbm>> -> memref<1000000x64xf32, #tpu.memory_space<hbm>>
      tpu.wait_indirect_dma semaphore(%arg16 : memref<!tpu.dma_semaphore, #tpu.memory_space<semaphore_mem>>) src(%dma_wait3A_234 : memref<1000000x64xf32, #tpu.memory_space<hbm>>) dst(%arg8 : memref<200x64xf32, #tpu.memory_space<vmem>>)
      %add3A_235 = arith.constant 2 : i32
      %add3A_236 = arith.addi %mul3A_88, %add3A_235 : i32
      %add3A_237 = arith.addi %mul3A_2, %add3A_236 : i32
      %dma_start3A_238 = arith.constant 0 : i32
      %dma_start3A_239 = arith.constant 0 : i32
      %dma_start3A_240 = tpu.memref_slice %arg4[%add3A_237, %dma_start3A_238, %dma_start3A_239] : memref<4096x200x64xf32, #tpu.memory_space<hbm>> -> memref<1x200x64xf32, #tpu.memory_space<hbm>>
      %dma_start3A_241 = tpu.memref_squeeze %dma_start3A_240 : memref<1x200x64xf32, #tpu.memory_space<hbm>> -> memref<200x64xf32, #tpu.memory_space<hbm>>
      %dma_start3A_242 = arith.constant 0 : i32
      %dma_start3A_243 = arith.constant 0 : i32
      %dma_start3A_244 = tpu.memref_slice %arg4[%add3A_237, %dma_start3A_242, %dma_start3A_243] : memref<4096x200x64xf32, #tpu.memory_space<hbm>> -> memref<1x200x64xf32, #tpu.memory_space<hbm>>
      %dma_start3A_245 = tpu.memref_squeeze %dma_start3A_244 : memref<1x200x64xf32, #tpu.memory_space<hbm>> -> memref<200x64xf32, #tpu.memory_space<hbm>>
      tpu.enqueue_dma source(%arg8 : memref<200x64xf32, #tpu.memory_space<vmem>>) target(%dma_start3A_245 : memref<200x64xf32, #tpu.memory_space<hbm>>) target_semaphore(%arg24 : memref<!tpu.dma_semaphore, #tpu.memory_space<semaphore_mem>>)
      %add3A_246 = arith.constant 3 : i32
      %add3A_247 = arith.addi %mul3A_88, %add3A_246 : i32
      %dma_wait3A_248 = arith.constant 0 : i32
      %dma_wait3A_249 = tpu.memref_slice %arg5[%add3A_247, %dma_wait3A_248] : memref<128x200xi32, #tpu.memory_space<vmem>> -> memref<1x200xi32, #tpu.memory_space<vmem>>
      %dma_wait3A_250 = tpu.memref_squeeze %dma_wait3A_249 : memref<1x200xi32, #tpu.memory_space<vmem>> -> memref<200xi32, #tpu.memory_space<vmem>>
      %dma_wait3A_251 = arith.constant 0 : i32
      %dma_wait3A_252 = arith.constant 0 : i32
      %dma_wait3A_253 = tpu.memref_slice %arg2[%dma_wait3A_251, %dma_wait3A_252] : memref<1000000x64xf32, #tpu.memory_space<hbm>> -> memref<1000000x64xf32, #tpu.memory_space<hbm>>
      tpu.wait_indirect_dma semaphore(%arg17 : memref<!tpu.dma_semaphore, #tpu.memory_space<semaphore_mem>>) src(%dma_wait3A_253 : memref<1000000x64xf32, #tpu.memory_space<hbm>>) dst(%arg9 : memref<200x64xf32, #tpu.memory_space<vmem>>)
      %add3A_254 = arith.constant 3 : i32
      %add3A_255 = arith.addi %mul3A_88, %add3A_254 : i32
      %add3A_256 = arith.addi %mul3A_2, %add3A_255 : i32
      %dma_start3A_257 = arith.constant 0 : i32
      %dma_start3A_258 = arith.constant 0 : i32
      %dma_start3A_259 = tpu.memref_slice %arg4[%add3A_256, %dma_start3A_257, %dma_start3A_258] : memref<4096x200x64xf32, #tpu.memory_space<hbm>> -> memref<1x200x64xf32, #tpu.memory_space<hbm>>
      %dma_start3A_260 = tpu.memref_squeeze %dma_start3A_259 : memref<1x200x64xf32, #tpu.memory_space<hbm>> -> memref<200x64xf32, #tpu.memory_space<hbm>>
      %dma_start3A_261 = arith.constant 0 : i32
      %dma_start3A_262 = arith.constant 0 : i32
      %dma_start3A_263 = tpu.memref_slice %arg4[%add3A_256, %dma_start3A_261, %dma_start3A_262] : memref<4096x200x64xf32, #tpu.memory_space<hbm>> -> memref<1x200x64xf32, #tpu.memory_space<hbm>>
      %dma_start3A_264 = tpu.memref_squeeze %dma_start3A_263 : memref<1x200x64xf32, #tpu.memory_space<hbm>> -> memref<200x64xf32, #tpu.memory_space<hbm>>
      tpu.enqueue_dma source(%arg9 : memref<200x64xf32, #tpu.memory_space<vmem>>) target(%dma_start3A_264 : memref<200x64xf32, #tpu.memory_space<hbm>>) target_semaphore(%arg25 : memref<!tpu.dma_semaphore, #tpu.memory_space<semaphore_mem>>)
      %add3A_265 = arith.constant 4 : i32
      %add3A_266 = arith.addi %mul3A_88, %add3A_265 : i32
      %dma_wait3A_267 = arith.constant 0 : i32
      %dma_wait3A_268 = tpu.memref_slice %arg5[%add3A_266, %dma_wait3A_267] : memref<128x200xi32, #tpu.memory_space<vmem>> -> memref<1x200xi32, #tpu.memory_space<vmem>>
      %dma_wait3A_269 = tpu.memref_squeeze %dma_wait3A_268 : memref<1x200xi32, #tpu.memory_space<vmem>> -> memref<200xi32, #tpu.memory_space<vmem>>
      %dma_wait3A_270 = arith.constant 0 : i32
      %dma_wait3A_271 = arith.constant 0 : i32
      %dma_wait3A_272 = tpu.memref_slice %arg2[%dma_wait3A_270, %dma_wait3A_271] : memref<1000000x64xf32, #tpu.memory_space<hbm>> -> memref<1000000x64xf32, #tpu.memory_space<hbm>>
      tpu.wait_indirect_dma semaphore(%arg18 : memref<!tpu.dma_semaphore, #tpu.memory_space<semaphore_mem>>) src(%dma_wait3A_272 : memref<1000000x64xf32, #tpu.memory_space<hbm>>) dst(%arg10 : memref<200x64xf32, #tpu.memory_space<vmem>>)
      %add3A_273 = arith.constant 4 : i32
      %add3A_274 = arith.addi %mul3A_88, %add3A_273 : i32
      %add3A_275 = arith.addi %mul3A_2, %add3A_274 : i32
      %dma_start3A_276 = arith.constant 0 : i32
      %dma_start3A_277 = arith.constant 0 : i32
      %dma_start3A_278 = tpu.memref_slice %arg4[%add3A_275, %dma_start3A_276, %dma_start3A_277] : memref<4096x200x64xf32, #tpu.memory_space<hbm>> -> memref<1x200x64xf32, #tpu.memory_space<hbm>>
      %dma_start3A_279 = tpu.memref_squeeze %dma_start3A_278 : memref<1x200x64xf32, #tpu.memory_space<hbm>> -> memref<200x64xf32, #tpu.memory_space<hbm>>
      %dma_start3A_280 = arith.constant 0 : i32
      %dma_start3A_281 = arith.constant 0 : i32
      %dma_start3A_282 = tpu.memref_slice %arg4[%add3A_275, %dma_start3A_280, %dma_start3A_281] : memref<4096x200x64xf32, #tpu.memory_space<hbm>> -> memref<1x200x64xf32, #tpu.memory_space<hbm>>
      %dma_start3A_283 = tpu.memref_squeeze %dma_start3A_282 : memref<1x200x64xf32, #tpu.memory_space<hbm>> -> memref<200x64xf32, #tpu.memory_space<hbm>>
      tpu.enqueue_dma source(%arg10 : memref<200x64xf32, #tpu.memory_space<vmem>>) target(%dma_start3A_283 : memref<200x64xf32, #tpu.memory_space<hbm>>) target_semaphore(%arg26 : memref<!tpu.dma_semaphore, #tpu.memory_space<semaphore_mem>>)
      %add3A_284 = arith.constant 5 : i32
      %add3A_285 = arith.addi %mul3A_88, %add3A_284 : i32
      %dma_wait3A_286 = arith.constant 0 : i32
      %dma_wait3A_287 = tpu.memref_slice %arg5[%add3A_285, %dma_wait3A_286] : memref<128x200xi32, #tpu.memory_space<vmem>> -> memref<1x200xi32, #tpu.memory_space<vmem>>
      %dma_wait3A_288 = tpu.memref_squeeze %dma_wait3A_287 : memref<1x200xi32, #tpu.memory_space<vmem>> -> memref<200xi32, #tpu.memory_space<vmem>>
      %dma_wait3A_289 = arith.constant 0 : i32
      %dma_wait3A_290 = arith.constant 0 : i32
      %dma_wait3A_291 = tpu.memref_slice %arg2[%dma_wait3A_289, %dma_wait3A_290] : memref<1000000x64xf32, #tpu.memory_space<hbm>> -> memref<1000000x64xf32, #tpu.memory_space<hbm>>
      tpu.wait_indirect_dma semaphore(%arg19 : memref<!tpu.dma_semaphore, #tpu.memory_space<semaphore_mem>>) src(%dma_wait3A_291 : memref<1000000x64xf32, #tpu.memory_space<hbm>>) dst(%arg11 : memref<200x64xf32, #tpu.memory_space<vmem>>)
      %add3A_292 = arith.constant 5 : i32
      %add3A_293 = arith.addi %mul3A_88, %add3A_292 : i32
      %add3A_294 = arith.addi %mul3A_2, %add3A_293 : i32
      %dma_start3A_295 = arith.constant 0 : i32
      %dma_start3A_296 = arith.constant 0 : i32
      %dma_start3A_297 = tpu.memref_slice %arg4[%add3A_294, %dma_start3A_295, %dma_start3A_296] : memref<4096x200x64xf32, #tpu.memory_space<hbm>> -> memref<1x200x64xf32, #tpu.memory_space<hbm>>
      %dma_start3A_298 = tpu.memref_squeeze %dma_start3A_297 : memref<1x200x64xf32, #tpu.memory_space<hbm>> -> memref<200x64xf32, #tpu.memory_space<hbm>>
      %dma_start3A_299 = arith.constant 0 : i32
      %dma_start3A_300 = arith.constant 0 : i32
      %dma_start3A_301 = tpu.memref_slice %arg4[%add3A_294, %dma_start3A_299, %dma_start3A_300] : memref<4096x200x64xf32, #tpu.memory_space<hbm>> -> memref<1x200x64xf32, #tpu.memory_space<hbm>>
      %dma_start3A_302 = tpu.memref_squeeze %dma_start3A_301 : memref<1x200x64xf32, #tpu.memory_space<hbm>> -> memref<200x64xf32, #tpu.memory_space<hbm>>
      tpu.enqueue_dma source(%arg11 : memref<200x64xf32, #tpu.memory_space<vmem>>) target(%dma_start3A_302 : memref<200x64xf32, #tpu.memory_space<hbm>>) target_semaphore(%arg27 : memref<!tpu.dma_semaphore, #tpu.memory_space<semaphore_mem>>)
      %add3A_303 = arith.constant 6 : i32
      %add3A_304 = arith.addi %mul3A_88, %add3A_303 : i32
      %dma_wait3A_305 = arith.constant 0 : i32
      %dma_wait3A_306 = tpu.memref_slice %arg5[%add3A_304, %dma_wait3A_305] : memref<128x200xi32, #tpu.memory_space<vmem>> -> memref<1x200xi32, #tpu.memory_space<vmem>>
      %dma_wait3A_307 = tpu.memref_squeeze %dma_wait3A_306 : memref<1x200xi32, #tpu.memory_space<vmem>> -> memref<200xi32, #tpu.memory_space<vmem>>
      %dma_wait3A_308 = arith.constant 0 : i32
      %dma_wait3A_309 = arith.constant 0 : i32
      %dma_wait3A_310 = tpu.memref_slice %arg2[%dma_wait3A_308, %dma_wait3A_309] : memref<1000000x64xf32, #tpu.memory_space<hbm>> -> memref<1000000x64xf32, #tpu.memory_space<hbm>>
      tpu.wait_indirect_dma semaphore(%arg20 : memref<!tpu.dma_semaphore, #tpu.memory_space<semaphore_mem>>) src(%dma_wait3A_310 : memref<1000000x64xf32, #tpu.memory_space<hbm>>) dst(%arg12 : memref<200x64xf32, #tpu.memory_space<vmem>>)
      %add3A_311 = arith.constant 6 : i32
      %add3A_312 = arith.addi %mul3A_88, %add3A_311 : i32
      %add3A_313 = arith.addi %mul3A_2, %add3A_312 : i32
      %dma_start3A_314 = arith.constant 0 : i32
      %dma_start3A_315 = arith.constant 0 : i32
      %dma_start3A_316 = tpu.memref_slice %arg4[%add3A_313, %dma_start3A_314, %dma_start3A_315] : memref<4096x200x64xf32, #tpu.memory_space<hbm>> -> memref<1x200x64xf32, #tpu.memory_space<hbm>>
      %dma_start3A_317 = tpu.memref_squeeze %dma_start3A_316 : memref<1x200x64xf32, #tpu.memory_space<hbm>> -> memref<200x64xf32, #tpu.memory_space<hbm>>
      %dma_start3A_318 = arith.constant 0 : i32
      %dma_start3A_319 = arith.constant 0 : i32
      %dma_start3A_320 = tpu.memref_slice %arg4[%add3A_313, %dma_start3A_318, %dma_start3A_319] : memref<4096x200x64xf32, #tpu.memory_space<hbm>> -> memref<1x200x64xf32, #tpu.memory_space<hbm>>
      %dma_start3A_321 = tpu.memref_squeeze %dma_start3A_320 : memref<1x200x64xf32, #tpu.memory_space<hbm>> -> memref<200x64xf32, #tpu.memory_space<hbm>>
      tpu.enqueue_dma source(%arg12 : memref<200x64xf32, #tpu.memory_space<vmem>>) target(%dma_start3A_321 : memref<200x64xf32, #tpu.memory_space<hbm>>) target_semaphore(%arg28 : memref<!tpu.dma_semaphore, #tpu.memory_space<semaphore_mem>>)
      %add3A_322 = arith.constant 7 : i32
      %add3A_323 = arith.addi %mul3A_88, %add3A_322 : i32
      %dma_wait3A_324 = arith.constant 0 : i32
      %dma_wait3A_325 = tpu.memref_slice %arg5[%add3A_323, %dma_wait3A_324] : memref<128x200xi32, #tpu.memory_space<vmem>> -> memref<1x200xi32, #tpu.memory_space<vmem>>
      %dma_wait3A_326 = tpu.memref_squeeze %dma_wait3A_325 : memref<1x200xi32, #tpu.memory_space<vmem>> -> memref<200xi32, #tpu.memory_space<vmem>>
      %dma_wait3A_327 = arith.constant 0 : i32
      %dma_wait3A_328 = arith.constant 0 : i32
      %dma_wait3A_329 = tpu.memref_slice %arg2[%dma_wait3A_327, %dma_wait3A_328] : memref<1000000x64xf32, #tpu.memory_space<hbm>> -> memref<1000000x64xf32, #tpu.memory_space<hbm>>
      tpu.wait_indirect_dma semaphore(%arg21 : memref<!tpu.dma_semaphore, #tpu.memory_space<semaphore_mem>>) src(%dma_wait3A_329 : memref<1000000x64xf32, #tpu.memory_space<hbm>>) dst(%arg13 : memref<200x64xf32, #tpu.memory_space<vmem>>)
      %add3A_330 = arith.constant 7 : i32
      %add3A_331 = arith.addi %mul3A_88, %add3A_330 : i32
      %add3A_332 = arith.addi %mul3A_2, %add3A_331 : i32
      %dma_start3A_333 = arith.constant 0 : i32
      %dma_start3A_334 = arith.constant 0 : i32
      %dma_start3A_335 = tpu.memref_slice %arg4[%add3A_332, %dma_start3A_333, %dma_start3A_334] : memref<4096x200x64xf32, #tpu.memory_space<hbm>> -> memref<1x200x64xf32, #tpu.memory_space<hbm>>
      %dma_start3A_336 = tpu.memref_squeeze %dma_start3A_335 : memref<1x200x64xf32, #tpu.memory_space<hbm>> -> memref<200x64xf32, #tpu.memory_space<hbm>>
      %dma_start3A_337 = arith.constant 0 : i32
      %dma_start3A_338 = arith.constant 0 : i32
      %dma_start3A_339 = tpu.memref_slice %arg4[%add3A_332, %dma_start3A_337, %dma_start3A_338] : memref<4096x200x64xf32, #tpu.memory_space<hbm>> -> memref<1x200x64xf32, #tpu.memory_space<hbm>>
      %dma_start3A_340 = tpu.memref_squeeze %dma_start3A_339 : memref<1x200x64xf32, #tpu.memory_space<hbm>> -> memref<200x64xf32, #tpu.memory_space<hbm>>
      tpu.enqueue_dma source(%arg13 : memref<200x64xf32, #tpu.memory_space<vmem>>) target(%dma_start3A_340 : memref<200x64xf32, #tpu.memory_space<hbm>>) target_semaphore(%arg29 : memref<!tpu.dma_semaphore, #tpu.memory_space<semaphore_mem>>)
    }
    %scan3A_6 = arith.constant 16 : i32
    %add3A_7 = arith.constant 120 : i32
    %add3A_8 = arith.addi %mul3A_2, %add3A_7 : i32
    %dma_wait3A = arith.constant 0 : i32
    %dma_wait3A_9 = arith.constant 0 : i32
    %dma_wait3A_10 = tpu.memref_slice %arg4[%add3A_8, %dma_wait3A, %dma_wait3A_9] : memref<4096x200x64xf32, #tpu.memory_space<hbm>> -> memref<1x200x64xf32, #tpu.memory_space<hbm>>
    %dma_wait3A_11 = tpu.memref_squeeze %dma_wait3A_10 : memref<1x200x64xf32, #tpu.memory_space<hbm>> -> memref<200x64xf32, #tpu.memory_space<hbm>>
    %dma_wait3A_12 = arith.constant 0 : i32
    %dma_wait3A_13 = arith.constant 0 : i32
    %dma_wait3A_14 = tpu.memref_slice %arg4[%add3A_8, %dma_wait3A_12, %dma_wait3A_13] : memref<4096x200x64xf32, #tpu.memory_space<hbm>> -> memref<1x200x64xf32, #tpu.memory_space<hbm>>
    %dma_wait3A_15 = tpu.memref_squeeze %dma_wait3A_14 : memref<1x200x64xf32, #tpu.memory_space<hbm>> -> memref<200x64xf32, #tpu.memory_space<hbm>>
    tpu.wait_dma2 semaphore(%arg22 : memref<!tpu.dma_semaphore, #tpu.memory_space<semaphore_mem>>) src(%arg6 : memref<200x64xf32, #tpu.memory_space<vmem>>) dst(%dma_wait3A_15 : memref<200x64xf32, #tpu.memory_space<hbm>>)
    %add3A_16 = arith.constant 121 : i32
    %add3A_17 = arith.addi %mul3A_2, %add3A_16 : i32
    %dma_wait3A_18 = arith.constant 0 : i32
    %dma_wait3A_19 = arith.constant 0 : i32
    %dma_wait3A_20 = tpu.memref_slice %arg4[%add3A_17, %dma_wait3A_18, %dma_wait3A_19] : memref<4096x200x64xf32, #tpu.memory_space<hbm>> -> memref<1x200x64xf32, #tpu.memory_space<hbm>>
    %dma_wait3A_21 = tpu.memref_squeeze %dma_wait3A_20 : memref<1x200x64xf32, #tpu.memory_space<hbm>> -> memref<200x64xf32, #tpu.memory_space<hbm>>
    %dma_wait3A_22 = arith.constant 0 : i32
    %dma_wait3A_23 = arith.constant 0 : i32
    %dma_wait3A_24 = tpu.memref_slice %arg4[%add3A_17, %dma_wait3A_22, %dma_wait3A_23] : memref<4096x200x64xf32, #tpu.memory_space<hbm>> -> memref<1x200x64xf32, #tpu.memory_space<hbm>>
    %dma_wait3A_25 = tpu.memref_squeeze %dma_wait3A_24 : memref<1x200x64xf32, #tpu.memory_space<hbm>> -> memref<200x64xf32, #tpu.memory_space<hbm>>
    tpu.wait_dma2 semaphore(%arg23 : memref<!tpu.dma_semaphore, #tpu.memory_space<semaphore_mem>>) src(%arg7 : memref<200x64xf32, #tpu.memory_space<vmem>>) dst(%dma_wait3A_25 : memref<200x64xf32, #tpu.memory_space<hbm>>)
    %add3A_26 = arith.constant 122 : i32
    %add3A_27 = arith.addi %mul3A_2, %add3A_26 : i32
    %dma_wait3A_28 = arith.constant 0 : i32
    %dma_wait3A_29 = arith.constant 0 : i32
    %dma_wait3A_30 = tpu.memref_slice %arg4[%add3A_27, %dma_wait3A_28, %dma_wait3A_29] : memref<4096x200x64xf32, #tpu.memory_space<hbm>> -> memref<1x200x64xf32, #tpu.memory_space<hbm>>
    %dma_wait3A_31 = tpu.memref_squeeze %dma_wait3A_30 : memref<1x200x64xf32, #tpu.memory_space<hbm>> -> memref<200x64xf32, #tpu.memory_space<hbm>>
    %dma_wait3A_32 = arith.constant 0 : i32
    %dma_wait3A_33 = arith.constant 0 : i32
    %dma_wait3A_34 = tpu.memref_slice %arg4[%add3A_27, %dma_wait3A_32, %dma_wait3A_33] : memref<4096x200x64xf32, #tpu.memory_space<hbm>> -> memref<1x200x64xf32, #tpu.memory_space<hbm>>
    %dma_wait3A_35 = tpu.memref_squeeze %dma_wait3A_34 : memref<1x200x64xf32, #tpu.memory_space<hbm>> -> memref<200x64xf32, #tpu.memory_space<hbm>>
    tpu.wait_dma2 semaphore(%arg24 : memref<!tpu.dma_semaphore, #tpu.memory_space<semaphore_mem>>) src(%arg8 : memref<200x64xf32, #tpu.memory_space<vmem>>) dst(%dma_wait3A_35 : memref<200x64xf32, #tpu.memory_space<hbm>>)
    %add3A_36 = arith.constant 123 : i32
    %add3A_37 = arith.addi %mul3A_2, %add3A_36 : i32
    %dma_wait3A_38 = arith.constant 0 : i32
    %dma_wait3A_39 = arith.constant 0 : i32
    %dma_wait3A_40 = tpu.memref_slice %arg4[%add3A_37, %dma_wait3A_38, %dma_wait3A_39] : memref<4096x200x64xf32, #tpu.memory_space<hbm>> -> memref<1x200x64xf32, #tpu.memory_space<hbm>>
    %dma_wait3A_41 = tpu.memref_squeeze %dma_wait3A_40 : memref<1x200x64xf32, #tpu.memory_space<hbm>> -> memref<200x64xf32, #tpu.memory_space<hbm>>
    %dma_wait3A_42 = arith.constant 0 : i32
    %dma_wait3A_43 = arith.constant 0 : i32
    %dma_wait3A_44 = tpu.memref_slice %arg4[%add3A_37, %dma_wait3A_42, %dma_wait3A_43] : memref<4096x200x64xf32, #tpu.memory_space<hbm>> -> memref<1x200x64xf32, #tpu.memory_space<hbm>>
    %dma_wait3A_45 = tpu.memref_squeeze %dma_wait3A_44 : memref<1x200x64xf32, #tpu.memory_space<hbm>> -> memref<200x64xf32, #tpu.memory_space<hbm>>
    tpu.wait_dma2 semaphore(%arg25 : memref<!tpu.dma_semaphore, #tpu.memory_space<semaphore_mem>>) src(%arg9 : memref<200x64xf32, #tpu.memory_space<vmem>>) dst(%dma_wait3A_45 : memref<200x64xf32, #tpu.memory_space<hbm>>)
    %add3A_46 = arith.constant 124 : i32
    %add3A_47 = arith.addi %mul3A_2, %add3A_46 : i32
    %dma_wait3A_48 = arith.constant 0 : i32
    %dma_wait3A_49 = arith.constant 0 : i32
    %dma_wait3A_50 = tpu.memref_slice %arg4[%add3A_47, %dma_wait3A_48, %dma_wait3A_49] : memref<4096x200x64xf32, #tpu.memory_space<hbm>> -> memref<1x200x64xf32, #tpu.memory_space<hbm>>
    %dma_wait3A_51 = tpu.memref_squeeze %dma_wait3A_50 : memref<1x200x64xf32, #tpu.memory_space<hbm>> -> memref<200x64xf32, #tpu.memory_space<hbm>>
    %dma_wait3A_52 = arith.constant 0 : i32
    %dma_wait3A_53 = arith.constant 0 : i32
    %dma_wait3A_54 = tpu.memref_slice %arg4[%add3A_47, %dma_wait3A_52, %dma_wait3A_53] : memref<4096x200x64xf32, #tpu.memory_space<hbm>> -> memref<1x200x64xf32, #tpu.memory_space<hbm>>
    %dma_wait3A_55 = tpu.memref_squeeze %dma_wait3A_54 : memref<1x200x64xf32, #tpu.memory_space<hbm>> -> memref<200x64xf32, #tpu.memory_space<hbm>>
    tpu.wait_dma2 semaphore(%arg26 : memref<!tpu.dma_semaphore, #tpu.memory_space<semaphore_mem>>) src(%arg10 : memref<200x64xf32, #tpu.memory_space<vmem>>) dst(%dma_wait3A_55 : memref<200x64xf32, #tpu.memory_space<hbm>>)
    %add3A_56 = arith.constant 125 : i32
    %add3A_57 = arith.addi %mul3A_2, %add3A_56 : i32
    %dma_wait3A_58 = arith.constant 0 : i32
    %dma_wait3A_59 = arith.constant 0 : i32
    %dma_wait3A_60 = tpu.memref_slice %arg4[%add3A_57, %dma_wait3A_58, %dma_wait3A_59] : memref<4096x200x64xf32, #tpu.memory_space<hbm>> -> memref<1x200x64xf32, #tpu.memory_space<hbm>>
    %dma_wait3A_61 = tpu.memref_squeeze %dma_wait3A_60 : memref<1x200x64xf32, #tpu.memory_space<hbm>> -> memref<200x64xf32, #tpu.memory_space<hbm>>
    %dma_wait3A_62 = arith.constant 0 : i32
    %dma_wait3A_63 = arith.constant 0 : i32
    %dma_wait3A_64 = tpu.memref_slice %arg4[%add3A_57, %dma_wait3A_62, %dma_wait3A_63] : memref<4096x200x64xf32, #tpu.memory_space<hbm>> -> memref<1x200x64xf32, #tpu.memory_space<hbm>>
    %dma_wait3A_65 = tpu.memref_squeeze %dma_wait3A_64 : memref<1x200x64xf32, #tpu.memory_space<hbm>> -> memref<200x64xf32, #tpu.memory_space<hbm>>
    tpu.wait_dma2 semaphore(%arg27 : memref<!tpu.dma_semaphore, #tpu.memory_space<semaphore_mem>>) src(%arg11 : memref<200x64xf32, #tpu.memory_space<vmem>>) dst(%dma_wait3A_65 : memref<200x64xf32, #tpu.memory_space<hbm>>)
    %add3A_66 = arith.constant 126 : i32
    %add3A_67 = arith.addi %mul3A_2, %add3A_66 : i32
    %dma_wait3A_68 = arith.constant 0 : i32
    %dma_wait3A_69 = arith.constant 0 : i32
    %dma_wait3A_70 = tpu.memref_slice %arg4[%add3A_67, %dma_wait3A_68, %dma_wait3A_69] : memref<4096x200x64xf32, #tpu.memory_space<hbm>> -> memref<1x200x64xf32, #tpu.memory_space<hbm>>
    %dma_wait3A_71 = tpu.memref_squeeze %dma_wait3A_70 : memref<1x200x64xf32, #tpu.memory_space<hbm>> -> memref<200x64xf32, #tpu.memory_space<hbm>>
    %dma_wait3A_72 = arith.constant 0 : i32
    %dma_wait3A_73 = arith.constant 0 : i32
    %dma_wait3A_74 = tpu.memref_slice %arg4[%add3A_67, %dma_wait3A_72, %dma_wait3A_73] : memref<4096x200x64xf32, #tpu.memory_space<hbm>> -> memref<1x200x64xf32, #tpu.memory_space<hbm>>
    %dma_wait3A_75 = tpu.memref_squeeze %dma_wait3A_74 : memref<1x200x64xf32, #tpu.memory_space<hbm>> -> memref<200x64xf32, #tpu.memory_space<hbm>>
    tpu.wait_dma2 semaphore(%arg28 : memref<!tpu.dma_semaphore, #tpu.memory_space<semaphore_mem>>) src(%arg12 : memref<200x64xf32, #tpu.memory_space<vmem>>) dst(%dma_wait3A_75 : memref<200x64xf32, #tpu.memory_space<hbm>>)
    %add3A_76 = arith.constant 127 : i32
    %add3A_77 = arith.addi %mul3A_2, %add3A_76 : i32
    %dma_wait3A_78 = arith.constant 0 : i32
    %dma_wait3A_79 = arith.constant 0 : i32
    %dma_wait3A_80 = tpu.memref_slice %arg4[%add3A_77, %dma_wait3A_78, %dma_wait3A_79] : memref<4096x200x64xf32, #tpu.memory_space<hbm>> -> memref<1x200x64xf32, #tpu.memory_space<hbm>>
    %dma_wait3A_81 = tpu.memref_squeeze %dma_wait3A_80 : memref<1x200x64xf32, #tpu.memory_space<hbm>> -> memref<200x64xf32, #tpu.memory_space<hbm>>
    %dma_wait3A_82 = arith.constant 0 : i32
    %dma_wait3A_83 = arith.constant 0 : i32
    %dma_wait3A_84 = tpu.memref_slice %arg4[%add3A_77, %dma_wait3A_82, %dma_wait3A_83] : memref<4096x200x64xf32, #tpu.memory_space<hbm>> -> memref<1x200x64xf32, #tpu.memory_space<hbm>>
    %dma_wait3A_85 = tpu.memref_squeeze %dma_wait3A_84 : memref<1x200x64xf32, #tpu.memory_space<hbm>> -> memref<200x64xf32, #tpu.memory_space<hbm>>
    tpu.wait_dma2 semaphore(%arg29 : memref<!tpu.dma_semaphore, #tpu.memory_space<semaphore_mem>>) src(%arg13 : memref<200x64xf32, #tpu.memory_space<vmem>>) dst(%dma_wait3A_85 : memref<200x64xf32, #tpu.memory_space<hbm>>)
    return
  }
}

</mosaic_0001>

<sc_bundles>
// kernel: kernel.3.cloned.1.call-start
scs
__scs_entry_jumppad:
0x0: {  	(pc) =	sbr.rel $0x88, $3  }
0x1: {  	(tag) =	ssettag $0x0;
	lr =	simm.s32 $0x1  }
0x2: {  	[smem:$0x3F9F] =	sst lr;
	_ =	strace $0xD0000000  }
0x3: {  	_ = 	snop  }
0x4: {  	_ = 	snop  }
0x5: {  	_ = 	snop  }
0x6: {  	_ = 	snop  }
0x7: {  	_ = 	snop  }
__scs_overlays_trampoline_lowered:
0x8: {  	[smem:$0x3FAE] =	sst s0  }
0x9: {  	[smem:$0x3FAF] =	sst s1  }
0xa: {  	[smem:$0x3FB0] =	sst s2  }
0xb: {  	[smem:$0x3FB1] =	sst s3  }
0xc: {  	[smem:$0x3FB2] =	sst s4  }
0xd: {  	[smem:$0x3FB3] =	sst s5  }
0xe: {  	[smem:$0x3FB4] =	sst s6  }
0xf: {  	[smem:$0x3FB5] =	sst s7  }
0x10: {  	[smem:$0x3FB6] =	sst s8  }
0x11: {  	[smem:$0x3FB7] =	sst s9;
	s0 =	simm.s32 @!p0 $0x0  }
0x12: {  	s1 =	sld [smem:$0x3F9D];
	s0 =	simm.s32 @p0 $0x1  }
0x13: {  	[smem:$0x3FB8] =	sst s0;
	s0 =	simm.s32 @!p1 $0x0  }
0x14: {  	s2 =	sld [smem:$0x3F9C];
	s0 =	simm.s32 @p1 $0x1  }
0x15: {  	[smem:$0x3FB9] =	sst s0;
	s0 =	simm.s32 @!p2 $0x0  }
0x16: {  	s3 =	sld [smem:$0x3FDB];
	s0 =	simm.s32 @p2 $0x1  }
0x17: {  	s4 =	simm.s32 $0x1BF5;
	[smem:$0x3FBB] =	sst s0  }
0x18: {  	s0 =	sld [smem:$0x3F9E];
	_ =	swait.ge [sflag:s4], $0x0  }
0x19: {  	s7 =	sld [smem:$0x3F9F]  }
0x1a: {  	s8 =	sadd.s32 $0xFFFFE003, lr  }
0x1b: {  	s9 =	sadd.s32 $0xFFFFFEF7, lr;
	s5 =	simm.s32 $0xFFFFFFFF;
	p2 =	slt.u32 s8, $0xFFFFF086  }
0x1c: {  	p1 =	slt.u32 s9, $0xF7A;
	s5 =	simm.s32 @!p2 $0x0  }
0x1d: {  	s5 =	simm.s32 @p1 $0x1;
	p0 =	seq.s32 s7, s2  }
0x1e: {  	s7 =	smul.u32 @!p0 $0xF7A, s2;
	p2 =	seq.s32 @!p0 s5, $0x0  }
0x1f: {  	s9 =	smul.u32 $0xF7A, s1;
	s8 =	simm.s32 @!p0 $0x1BF5;
	p2 =	por !p2, p0  }
0x20: {  	[sflag:s8] =	ssyncset.s32 @!p0 $0xFFFFF086;
	s6 =	sadd.s32 @!p0 s3, s7;
	s7 =	simm.s32 @!p0 $0x108  }
0x21: {  	s3 =	sadd.s32 s3, s9;
	s6 =	sadd.s32 @!p0 $0x88, s6;
	s7 =	simm.s32 @p2 $0x1082  }
0x22: {  	[simem:s7], [sflag:s8] =	dma.local @!p0 [hbm:s6], $0xF7A  }
0x23: {  	s9 =	sor.u32 $0xD0000000, s2;
	s6 =	simm.s32 $0x108;
	_ =	swait.ge @!p0 [sflag:s8], $0x0  }
0x24: {  	s3 =	sadd.s32 $0x88, s3;
	s6 =	simm.s32 @!p1 $0x1082;
	[sflag:s4] =	ssyncset.s32 $0xFFFFF086  }
0x25: {  	[simem:s6], [sflag:s4] =	dma.local [hbm:s3], $0xF7A  }
0x26: {  	[smem:$0x3F9F] =	sst s1;
	(tag) =	ssettag s2;
	_ =	strace s9  }
0x27: {  	s1 =	sld [smem:$0x3FAF]  }
0x28: {  	s2 =	sld [smem:$0x3FB0]  }
0x29: {  	s4 =	sld [smem:$0x3FB2]  }
0x2a: {  	p0 =	seq.s32 s5, $0x0;
	s5 =	sld [smem:$0x3FB3]  }
0x2b: {  	s6 =	sld [smem:$0x3FB4]  }
0x2c: {  	s7 =	sld [smem:$0x3FB5]  }
0x2d: {  	s3 =	simm.s32 $0x108;
	s8 =	sld [smem:$0x3FB6]  }
0x2e: {  	s3 =	simm.s32 @!p0 $0x1082;
	s9 =	sld [smem:$0x3FB7]  }
0x2f: {  	lr =	sadd.s32 s0, s3;
	s0 =	sld [smem:$0x3FAE]  }
0x30: {  	s3 =	sld [smem:$0x3FB1]  }
0x31: {  	[smem:$0x3FBA] =	sst s10  }
0x32: {  	s10 =	sld [smem:$0x3FB8];
	_ =	sdelay $0x3  }
0x33: {  	p0 =	seq.s32 s10, $0x1;
	s10 =	sld [smem:$0x3FBA];
	_ =	sdelay $0x3  }
0x34: {  	[smem:$0x3FBA] =	sst s10  }
0x35: {  	s10 =	sld [smem:$0x3FB9];
	_ =	sdelay $0x3  }
0x36: {  	p1 =	seq.s32 s10, $0x1;
	s10 =	sld [smem:$0x3FBA];
	_ =	sdelay $0x3  }
0x37: {  	[smem:$0x3FBA] =	sst s10  }
0x38: {  	s10 =	sld [smem:$0x3FBB]  }
0x39: {  	_ = 	snop;
	(pc) =	sbr.ind lr, $3  }
0x3a: {  	_ = 	snop  }
0x3b: {  	_ = 	snop  }
0x3c: {  	p2 =	seq.s32 s10, $0x1;
	s10 =	sld [smem:$0x3FBA]  }
0x3d: {  	_ =	shalt  }
0x3e: {  	_ =	shalt  }
0x3f: {  	_ =	shalt  }
0x40: {  	_ =	shalt  }
0x41: {  	_ =	shalt  }
0x42: {  	_ =	shalt  }
0x43: {  	_ =	shalt  }
0x44: {  	_ =	shalt  }
0x45: {  	_ =	shalt  }
0x46: {  	_ =	shalt  }
0x47: {  	_ =	shalt  }
0x48: {  	_ =	shalt  }
0x49: {  	_ =	shalt  }
0x4a: {  	_ =	shalt  }
0x4b: {  	_ =	shalt  }
0x4c: {  	_ =	shalt  }
0x4d: {  	_ =	shalt  }
0x4e: {  	_ =	shalt  }
0x4f: {  	_ =	shalt  }
0x50: {  	_ =	shalt  }
0x51: {  	_ =	shalt  }
0x52: {  	_ =	shalt  }
0x53: {  	_ =	shalt  }
0x54: {  	_ =	shalt  }
0x55: {  	_ =	shalt  }
0x56: {  	_ =	shalt  }
0x57: {  	_ =	shalt  }
0x58: {  	_ =	shalt  }
0x59: {  	_ =	shalt  }
0x5a: {  	_ =	shalt  }
0x5b: {  	_ =	shalt  }
0x5c: {  	_ =	shalt  }
0x5d: {  	_ =	shalt  }
0x5e: {  	_ =	shalt  }
0x5f: {  	_ =	shalt  }
0x60: {  	_ =	shalt  }
0x61: {  	_ =	shalt  }
0x62: {  	_ =	shalt  }
0x63: {  	_ =	shalt  }
0x64: {  	_ =	shalt  }
0x65: {  	_ =	shalt  }
0x66: {  	_ =	shalt  }
0x67: {  	_ =	shalt  }
0x68: {  	_ =	shalt  }
0x69: {  	_ =	shalt  }
0x6a: {  	_ =	shalt  }
0x6b: {  	_ =	shalt  }
0x6c: {  	_ =	shalt  }
0x6d: {  	_ =	shalt  }
0x6e: {  	_ =	shalt  }
0x6f: {  	_ =	shalt  }
0x70: {  	_ =	shalt  }
0x71: {  	_ =	shalt  }
0x72: {  	_ =	shalt  }
0x73: {  	_ =	shalt  }
0x74: {  	_ =	shalt  }
0x75: {  	_ =	shalt  }
0x76: {  	_ =	shalt  }
0x77: {  	_ =	shalt  }
0x78: {  	_ =	shalt  }
0x79: {  	_ =	shalt  }
0x7a: {  	_ =	shalt  }
0x7b: {  	_ =	shalt  }
0x7c: {  	_ =	shalt  }
0x7d: {  	_ =	shalt  }
0x7e: {  	_ =	shalt  }
0x7f: {  	_ =	shalt  }
0x80: {  	_ =	shalt  }
0x81: {  	_ =	shalt  }
0x82: {  	_ =	shalt  }
0x83: {  	_ =	shalt  }
0x84: {  	_ =	shalt  }
0x85: {  	_ =	shalt  }
0x86: {  	_ =	shalt  }
0x87: {  	_ =	shalt  }
.Lfunc_end0:
.L_simem_size_0:
called_computation.1_lowered:
.L_overlay_start_0:
0x88: {  	s2 =	sld [smem:$0x3FD9]  }
0x89: {  	s3 =	sld [smem:$0x3FFE];
	_ =	sdelay $0x1  }
0x8a: {  	s1 =	srdreg.scid  }
0x8b: {  	s0 =	sand.u32 $0x1, s1  }
0x8c: {  	s17 =	sshll.u32 s0, $0xA;
	s2 =	sadd.s32 s3, s2  }
0x8d: {  	s2 =	sadd.s32 s2, s17  }
0x8e: {  	[smem:$0x3FC6] =	sst s2  }
0x8f: {  	_ = 	snop  }
0x90: {  	s2 =	sld [smem:$0x3FD0];
	(tm) =	ssettm $0x1  }
0x91: {  	s18 =	sld [smem:$0x3FFB];
	_ =	sdelay $0x3  }
0x92: {  	_ =	strace s18  }
0x93: {  	s3 =	sld [smem:$0x3FFC];
	_ =	sdelay $0x3  }
0x94: {  	_ =	strace s3  }
0x95: {  	s3 =	sld [smem:$0x3FFD];
	_ =	sdelay $0x3  }
0x96: {  	_ =	strace s3  }
0x97: {  	_ =	strace $0x8FFFFFFF  }
0x98: {  	s19 =	sld [smem:$0x3FDB];
	_ =	sdelay $0x1  }
0x99: {  	s4 =	simm.s32 $_scs_section_size  }
0x9a: {  	s5 =	simm.s32 $_size__tile_overlayer_lowered;
	s6 =	simm.s32 $_tile_overlayer_lowered  }
0x9b: {  	s22 =	simm.s32 $0x1BFF;
	s21 =	sshll.u32 s6, $0x1;
	s3 =	sadd.s32 s4, s19  }
0x9c: {  	s7 =	simm.s32 $0x0;
	s20 =	sshll.u32 s5, $0x1;
	s5 =	sadd.s32 s21, s3  }
0x9d: {  	[timem:s7], [sflag:s22] =	dma.local [hbm:s5], s20  }
0x9e: {  	_ =	swait.ge [sflag:s22], s20  }
0x9f: {  	s4 =	ssub.s32 $0x0, s20;
	[sflag:s22] =	ssyncset.done $0x0  }
0xa0: {  	[sflag:s22] =	ssyncadd.s32 s4;
	_ =	sdelay $0x1  }
0xa1: {  	s23 =	simm.s32 $0x1B8B  }
0xa2: {  	_ =	swait.ge [sflag:s23], $0x1  }
0xa3: {  	[sflag:s23] =	ssyncset.done $0x0  }
0xa4: {  	s25 =	simm.s32 $0x1B8E;
	s24 =	sld [smem:$0x3FFE];
	[sflag:s23] =	ssyncadd.s32 $0xFFFFFFFF  }
0xa5: {  	s26 =	simm.s32 $execute0_lowered;
	[smem:$0x3FD2] =	sst s25  }
0xa6: {  	s5 =	sshll.u32 s26, $0x1;
	_ =	strace $0x80000046;
	[dreg:$0x1] =	wrdreg $0xFFFFFFFF  }
0xa7: {  	s28 =	simm.s32 $_size_execute0_lowered;
	s3 =	sadd.s32 s3, s5;
	[dreg:$0x0] =	wrdreg $0x0  }
0xa8: {  	s5 =	sshll.u32 s28, $0x1;
	[dreg:$0x2] =	wrdreg s3  }
0xa9: {  	[dreg:$0x3] =	wrdreg s5  }
0xaa: {  	[dreg:$0x4] =	wrdreg $0xC0  }
0xab: {  	_ =	task [dreg:s7], $0x5FFFF  }
0xac: {  	[dreg:$0x1] =	wrdreg $0xFFFFFFFF  }
0xad: {  	[dreg:$0x0] =	wrdreg $0x60  }
0xae: {  	[dreg:$0x2] =	wrdreg s24  }
0xaf: {  	[dreg:$0x3] =	wrdreg s2  }
0xb0: {  	[dreg:$0x4] =	wrdreg $0x9  }
0xb1: {  	_ =	task.clear_ibuf [dreg:s7], $0x5FFFF;
	_ =	strace $0x90000046  }
0xb2: {  	s29 =	simm.s32 $0x9;
	_ =	strace $0x80000048  }
0xb3: {  	_ =	swait.ge [sflag:s29], $0x1  }
0xb4: {  	[sflag:s29] =	ssyncadd.s32 $0xFFFFFFFF  }
0xb5: {  	_ =	strace $0x90000048  }
0xb6: {  	_ =	sfence  }
0xb7: {  	s30 =	sld [smem:$0x0];
	_ =	sdelay $0x2  }
0xb8: {  	s31 =	sshll.u32 s1, $0xD;
	s1 =	sshrl.u32 s1, $0x2  }
0xb9: {  	s3 =	sand.u32 $0x4000, s31;
	s1 =	sadd.s32 s1, s30  }
0xba: {  	s0 =	sor.u32 s3, s0;
	s1 =	sshll.u32 s1, $0x11  }
0xbb: {  	s0 =	sor.u32 s1, s0  }
0xbc: {  	s0 =	sadd.s32 $0x8F2B, s0  }
0xbd: {  	[sflag:s0] =	ssyncadd.remote.s32 $0x1  }
0xbe: {  	_ =	sfence.sel $0xFFFF  }
0xbf: {  	[dreg:$0x0] =	wrdreg $0xFFFFFFFF;
	(pc) =	sbr.abs _section_cstart, $3  }
0xc0: {  	[dreg:$0x1] =	wrdreg $0xFFFFFFFF  }
0xc1: {  	_ =	task.clear_ibuf [dreg:s7], $0x2FFFF;
	_ =	strace $0x9FFFFFFF  }
0xc2: {  	(tm) =	ssettm $0x7FFFFFFF  }
0xc3: {  	_ =	shalt  }
tec
execute0_lowered:
.L_overlay_start_1:
0x0: {  	(tag) =	ssettag $0x1  }
0x1: {  	s0 =	rddreg [dreg:$0x0]  }
0x2: {  	s2 =	rddreg [dreg:$0x1]  }
0x3: {  	s1 =	srdreg.scid;
	s9 =	stileid.u32  }
0x4: {  	s3 =	simm.s32 $0x0;
	s22 =	simm.s32 $0xC8;
	s10 =	simm.s32 $0x1C200  }
0x5: {  	s23 =	simm.s32 $0x6400;
	s11 =	simm.s32 $0x1;
	s24 =	simm.s32 $0x9600  }
0x6: {  	s12 =	simm.s32 $0x2;
	s25 =	simm.s32 $0xC800;
	s13 =	simm.s32 $0x3  }
0x7: {  	s26 =	simm.s32 $0xFA00;
	s14 =	simm.s32 $0x4;
	[smem:$0x7FF] =	sst s3  }
0x8: {  	s29 =	simm.s32 $0x12C00;
	_ =	strace $0x80000047;
	[dreg:$0x3] =	wrdreg s22  }
0x9: {  	s15 =	simm.s32 $0x5;
	s30 =	simm.s32 $0x15E00;
	[dreg:$0x4] =	wrdreg s23  }
0xa: {  	s16 =	simm.s32 $0x6;
	s31 =	simm.s32 $0x19000;
	[dreg:$0x5] =	wrdreg s24  }
0xb: {  	s1 =	sand.u32 $0x1, s1;
	s4 =	sshll.u32 s9, $0x8;
	[dreg:$0x6] =	wrdreg s25  }
0xc: {  	s9 =	smul.u32 $0x64000, s9;
	s5 =	sshll.u32 s1, $0x7;
	[dreg:$0x7] =	wrdreg s26  }
0xd: {  	s7 =	ssub.s32 $0x2, s1;
	[dreg:$0x8] =	wrdreg s29;
	s4 =	sor.u32 s5, s4  }
0xe: {  	[dreg:$0x9] =	wrdreg s30;
	s8 =	sshrl.u32 s7, $0x1;
	s6 =	smul.u32 $0x19, s4  }
0xf: {  	s1 =	smul.u32 $0x32000, s1;
	[dreg:$0xa] =	wrdreg s31;
	s19 =	ssub.s32 s7, s8  }
0x10: {  	s5 =	sadd.s32 $0xF42E00, s0;
	s20 =	smax.u32 s19, $0x1;
	s0 =	sadd.s32 s6, s0  }
0x11: {  	s21 =	sadd.s32 s9, s2;
	[dreg:$0xc] =	wrdreg s20;
	s0 =	sadd.s32 $0xA00, s0  }
0x12: {  	s17 =	simm.s32 $0x7;
	[dreg:$0xb] =	wrdreg s0;
	s0 =	sadd.s32 s1, s21  }
0x13: {  	s18 =	simm.s32 $0x8;
	s28 =	simm.s32 $0x0;
	[dreg:$0xd] =	wrdreg s0  }
.LBB2_1:
0x14: {  	s0 =	rddreg [dreg:$0xb];
	s21 =	simm.s32 $0x11  }
0x15: {  	[tilespmem:s3], [sflag:$0x11] =	stream.linear.gather [hbm4b:s0+s3], $0x6400, $0x38;
	[tilespmem:$0x1F400] =	vst v63  }
0x16: {  	_ =	swait.ge [sflag:s21], $0x6400  }
0x17: {  	p0 =	por $0x0, $0x0;
	[sflag:s21] =	ssyncset.done $0x0  }
0x18: {  	s0 =	simm.s32 @p0 $0x9;
	[sflag:s21] =	ssyncadd.s32 $0xFFFF9C00  }
0x19: {  	_ =	swait.ge @p0 [sflag:s0], $0x3200  }
0x1a: {  	s1 =	simm.s32 @p0 $0x0;
	s6 =	simm.s32 @p0 $0xC8;
	[sflag:s0] =	ssyncset.done @p0 $0x0  }
0x1b: {  	s7 =	simm.s32 @p0 $0xA;
	[sflag:s0] =	ssyncadd.s32 @p0 $0xFFFFCE00;
	s0 =	simm.s32 @p0 $0x6400  }
0x1c: {  	[tilespmem:s0], [sflag:$0x1] =	stream.indirect.gather @p0 [hbm4b:s5+s6], $0x40, s1, s6, $0xb8;
	[tilespmem:$0x1F400] =	vst v63  }
0x1d: {  	_ =	swait.ge @p0 [sflag:s7], $0x3200  }
0x1e: {  	s9 =	simm.s32 @p0 $0xB;
	[sflag:s7] =	ssyncset.done @p0 $0x0  }
0x1f: {  	s0 =	simm.s32 @p0 $0xC8;
	s1 =	simm.s32 @p0 $0x9600;
	[sflag:s7] =	ssyncadd.s32 @p0 $0xFFFFCE00  }
0x20: {  	[tilespmem:s1], [sflag:$0x2] =	stream.indirect.gather @p0 [hbm4b:s5+s6], $0x40, s0, s6, $0xb8;
	[tilespmem:$0x1F400] =	vst v63  }
0x21: {  	_ =	swait.ge @p0 [sflag:s9], $0x3200  }
0x22: {  	s7 =	simm.s32 @p0 $0xC;
	[sflag:s9] =	ssyncset.done @p0 $0x0  }
0x23: {  	s0 =	simm.s32 @p0 $0x190;
	s1 =	simm.s32 @p0 $0xC800;
	[sflag:s9] =	ssyncadd.s32 @p0 $0xFFFFCE00  }
0x24: {  	[tilespmem:s1], [sflag:$0x3] =	stream.indirect.gather @p0 [hbm4b:s5+s6], $0x40, s0, s6, $0xb8;
	[tilespmem:$0x1F400] =	vst v63  }
0x25: {  	_ =	swait.ge @p0 [sflag:s7], $0x3200  }
0x26: {  	s0 =	simm.s32 @p0 $0xFA00;
	[sflag:s7] =	ssyncset.done @p0 $0x0  }
0x27: {  	s1 =	simm.s32 @p0 $0xD;
	[sflag:s7] =	ssyncadd.s32 @p0 $0xFFFFCE00;
	s7 =	simm.s32 @p0 $0x258  }
0x28: {  	[tilespmem:s0], [sflag:$0x4] =	stream.indirect.gather @p0 [hbm4b:s5+s6], $0x40, s7, s6, $0xb8;
	[tilespmem:$0x1F400] =	vst v63  }
0x29: {  	_ =	swait.ge @p0 [sflag:s1], $0x3200  }
0x2a: {  	s0 =	simm.s32 @p0 $0x12C00;
	[sflag:s1] =	ssyncset.done @p0 $0x0  }
0x2b: {  	s7 =	simm.s32 @p0 $0xE;
	[sflag:s1] =	ssyncadd.s32 @p0 $0xFFFFCE00;
	s1 =	simm.s32 @p0 $0x320  }
0x2c: {  	[tilespmem:s0], [sflag:$0x5] =	stream.indirect.gather @p0 [hbm4b:s5+s6], $0x40, s1, s6, $0xb8;
	[tilespmem:$0x1F400] =	vst v63  }
0x2d: {  	_ =	swait.ge @p0 [sflag:s7], $0x3200  }
0x2e: {  	s9 =	simm.s32 @p0 $0xF;
	[sflag:s7] =	ssyncset.done @p0 $0x0  }
0x2f: {  	s0 =	simm.s32 @p0 $0x3E8;
	s1 =	simm.s32 @p0 $0x15E00;
	[sflag:s7] =	ssyncadd.s32 @p0 $0xFFFFCE00  }
0x30: {  	[tilespmem:s1], [sflag:$0x6] =	stream.indirect.gather @p0 [hbm4b:s5+s6], $0x40, s0, s6, $0xb8;
	[tilespmem:$0x1F400] =	vst v63  }
0x31: {  	_ =	swait.ge @p0 [sflag:s9], $0x3200  }
0x32: {  	s7 =	simm.s32 @p0 $0x10;
	[sflag:s9] =	ssyncset.done @p0 $0x0  }
0x33: {  	s0 =	simm.s32 @p0 $0x4B0;
	s1 =	simm.s32 @p0 $0x19000;
	[sflag:s9] =	ssyncadd.s32 @p0 $0xFFFFCE00  }
0x34: {  	[tilespmem:s1], [sflag:$0x7] =	stream.indirect.gather @p0 [hbm4b:s5+s6], $0x40, s0, s6, $0xb8;
	[tilespmem:$0x1F400] =	vst v63  }
0x35: {  	_ =	swait.ge @p0 [sflag:s7], $0x3200  }
0x36: {  	s0 =	simm.s32 @!p0 $0xC8;
	[sflag:s7] =	ssyncset.done @p0 $0x0  }
0x37: {  	s1 =	simm.s32 @!p0 $0x0;
	s6 =	simm.s32 @!p0 $0x6400;
	[sflag:s7] =	ssyncadd.s32 @p0 $0xFFFFCE00  }
0x38: {  	[tilespmem:s6], [sflag:$0x1] =	stream.indirect.gather @!p0 [hbm4b:s5+s0], $0x40, s1, s0, $0xb8;
	[tilespmem:$0x1F400] =	vst v63  }
0x39: {  	s1 =	simm.s32 @!p0 $0x9600  }
0x3a: {  	[tilespmem:s1], [sflag:$0x2] =	stream.indirect.gather @!p0 [hbm4b:s5+s0], $0x40, s0, s0, $0xb8;
	[tilespmem:$0x1F400] =	vst v63  }
0x3b: {  	s6 =	simm.s32 @!p0 $0xC800;
	s1 =	simm.s32 @!p0 $0x190  }
0x3c: {  	[tilespmem:s6], [sflag:$0x3] =	stream.indirect.gather @!p0 [hbm4b:s5+s0], $0x40, s1, s0, $0xb8;
	[tilespmem:$0x1F400] =	vst v63  }
0x3d: {  	s1 =	simm.s32 @!p0 $0x258;
	s6 =	simm.s32 @!p0 $0xFA00  }
0x3e: {  	[tilespmem:s6], [sflag:$0x4] =	stream.indirect.gather @!p0 [hbm4b:s5+s0], $0x40, s1, s0, $0xb8;
	[tilespmem:$0x1F400] =	vst v63  }
0x3f: {  	s1 =	simm.s32 @!p0 $0x320;
	s6 =	simm.s32 @!p0 $0x12C00  }
0x40: {  	[tilespmem:s6], [sflag:$0x5] =	stream.indirect.gather @!p0 [hbm4b:s5+s0], $0x40, s1, s0, $0xb8;
	[tilespmem:$0x1F400] =	vst v63  }
0x41: {  	s1 =	simm.s32 @!p0 $0x3E8;
	s6 =	simm.s32 @!p0 $0x15E00  }
0x42: {  	[tilespmem:s6], [sflag:$0x6] =	stream.indirect.gather @!p0 [hbm4b:s5+s0], $0x40, s1, s0, $0xb8;
	[tilespmem:$0x1F400] =	vst v63  }
0x43: {  	s1 =	simm.s32 @!p0 $0x4B0;
	s6 =	simm.s32 @!p0 $0x19000  }
0x44: {  	[tilespmem:s6], [sflag:$0x7] =	stream.indirect.gather @!p0 [hbm4b:s5+s0], $0x40, s1, s0, $0xb8;
	[tilespmem:$0x1F400] =	vst v63  }
0x45: {  	s23 =	simm.s32 $0x578;
	s22 =	rddreg [dreg:$0x3]  }
0x46: {  	[tilespmem:s10], [sflag:$0x8] =	stream.indirect.gather [hbm4b:s5+s22], $0x40, s23, s22, $0xb8;
	[tilespmem:$0x1F400] =	vst v63  }
0x47: {  	s1 =	simm.s32 @p0 $0x1;
	s6 =	simm.s32 @p0 $0x2;
	_ =	swait.ge [sflag:s11], $0x3200  }
0x48: {  	s1 =	simm.s32 @!p0 $0x1;
	s24 =	rddreg [dreg:$0x4];
	[sflag:s11] =	ssyncset.done $0x0  }
0x49: {  	s25 =	sadd.s32 s4, s1;
	s7 =	rddreg [dreg:$0xd];
	[sflag:s11] =	ssyncadd.s32 $0xFFFFCE00  }
0x4a: {  	[hbm4b:s7+s3] =	stream.linear.scatter [tilespmem:s24], [sflag:$0x9], $0x3200, $0x38;
	[tilespmem:$0x1F400] =	vst v63  }
0x4b: {  	s6 =	simm.s32 @!p0 $0x2;
	s0 =	smul.u32 $0x640, s25;
	_ =	swait.ge [sflag:s12], $0x3200  }
0x4c: {  	s8 =	sadd.s32 s4, s6;
	s6 =	simm.s32 @p0 $0x3;
	[sflag:s12] =	ssyncset.done $0x0  }
0x4d: {  	s0 =	sadd.s32 s2, s0;
	s26 =	rddreg [dreg:$0x5];
	[sflag:s12] =	ssyncadd.s32 $0xFFFFCE00  }
0x4e: {  	[hbm4b:s0+s3] =	stream.linear.scatter [tilespmem:s26], [sflag:$0xA], $0x3200, $0x38;
	[tilespmem:$0x1F400] =	vst v63  }
0x4f: {  	s6 =	simm.s32 @!p0 $0x3;
	s0 =	smul.u32 $0x640, s8;
	_ =	swait.ge [sflag:s13], $0x3200  }
0x50: {  	s19 =	sadd.s32 s4, s6;
	s6 =	simm.s32 @p0 $0x4;
	[sflag:s13] =	ssyncset.done $0x0  }
0x51: {  	s9 =	rddreg [dreg:$0x6];
	s0 =	sadd.s32 s2, s0;
	[sflag:s13] =	ssyncadd.s32 $0xFFFFCE00  }
0x52: {  	[hbm4b:s0+s3] =	stream.linear.scatter [tilespmem:s9], [sflag:$0xB], $0x3200, $0x38;
	[tilespmem:$0x1F400] =	vst v63  }
0x53: {  	s6 =	simm.s32 @!p0 $0x4;
	s0 =	smul.u32 $0x640, s19;
	_ =	swait.ge [sflag:s14], $0x3200  }
0x54: {  	s21 =	sadd.s32 s4, s6;
	s6 =	simm.s32 @p0 $0x5;
	[sflag:s14] =	ssyncset.done $0x0  }
0x55: {  	s20 =	rddreg [dreg:$0x7];
	s0 =	sadd.s32 s2, s0;
	[sflag:s14] =	ssyncadd.s32 $0xFFFFCE00  }
0x56: {  	[hbm4b:s0+s3] =	stream.linear.scatter [tilespmem:s20], [sflag:$0xC], $0x3200, $0x38;
	[tilespmem:$0x1F400] =	vst v63  }
0x57: {  	s6 =	simm.s32 @!p0 $0x5;
	s0 =	smul.u32 $0x640, s21;
	_ =	swait.ge [sflag:s15], $0x3200  }
0x58: {  	s23 =	sadd.s32 s4, s6;
	s6 =	simm.s32 $0x6;
	[sflag:s15] =	ssyncset.done $0x0  }
0x59: {  	s22 =	rddreg [dreg:$0x8];
	s0 =	sadd.s32 s2, s0;
	[sflag:s15] =	ssyncadd.s32 $0xFFFFCE00  }
0x5a: {  	[hbm4b:s0+s3] =	stream.linear.scatter [tilespmem:s22], [sflag:$0xD], $0x3200, $0x38;
	[tilespmem:$0x1F400] =	vst v63  }
0x5b: {  	s6 =	simm.s32 @!p0 $0x6;
	s0 =	smul.u32 $0x640, s23;
	_ =	swait.ge [sflag:s16], $0x3200  }
0x5c: {  	s25 =	sadd.s32 s4, s6;
	[sflag:s16] =	ssyncset.done $0x0  }
0x5d: {  	s24 =	rddreg [dreg:$0x9];
	s0 =	sadd.s32 s2, s0;
	[sflag:s16] =	ssyncadd.s32 $0xFFFFCE00  }
0x5e: {  	[hbm4b:s0+s3] =	stream.linear.scatter [tilespmem:s24], [sflag:$0xE], $0x3200, $0x38;
	[tilespmem:$0x1F400] =	vst v63  }
0x5f: {  	s31 =	simm.s32 $0x1900;
	s0 =	smul.u32 $0x640, s25;
	_ =	swait.ge [sflag:s17], $0x3200  }
0x60: {  	s30 =	simm.s32 $0xE;
	s1 =	sadd.s32 $0x2BC0, s7;
	[sflag:s17] =	ssyncset.done $0x0  }
0x61: {  	s26 =	rddreg [dreg:$0xa];
	s0 =	sadd.s32 s2, s0;
	[sflag:s17] =	ssyncadd.s32 $0xFFFFCE00  }
0x62: {  	[hbm4b:s0+s3] =	stream.linear.scatter [tilespmem:s26], [sflag:$0xF], $0x3200, $0x38;
	[tilespmem:$0x1F400] =	vst v63  }
0x63: {  	s29 =	sadd.s32 $0x3200, s7;
	p0 =	por $0x1, $0x1;
	s0 =	simm.s32 $0x3200  }
.LBB2_2:
0x64: {  	_ =	swait.ge [sflag:s18], $0x3200  }
0x65: {  	[sflag:s18] =	ssyncset.done $0x0  }
0x66: {  	s6 =	simm.s32 @p0 $0x9;
	[sflag:s18] =	ssyncadd.s32 $0xFFFFCE00  }
0x67: {  	[hbm4b:s1+s3] =	stream.linear.scatter [tilespmem:s10], [sflag:$0x10], $0x3200, $0x38;
	[tilespmem:$0x1F400] =	vst v63  }
0x68: {  	s7 =	sadd.s32 @p0 $0xFFFFFFFE, s30;
	_ =	swait.ge @p0 [sflag:s6], $0x3200  }
0x69: {  	s22 =	sshra.s32 @p0 s31, $0x2;
	s19 =	simm.s32 @p0 $0xC8;
	[sflag:s6] =	ssyncset.done @p0 $0x0  }
0x6a: {  	s1 =	simm.s32 @p0 $0x6400;
	[sflag:s6] =	ssyncadd.s32 @p0 $0xFFFFCE00;
	s6 =	simm.s32 @p0 $0xA  }
0x6b: {  	[tilespmem:s1], [sflag:$0x1] =	stream.indirect.gather @p0 [hbm4b:s5+s19], $0x40, s22, s19, $0xb8;
	[tilespmem:$0x1F400] =	vst v63  }
0x6c: {  	s21 =	sadd.s32 @p0 $0xFFFFFFFF, s30;
	s25 =	simm.s32 @p0 $0x9600;
	_ =	swait.ge @p0 [sflag:s6], $0x3200  }
0x6d: {  	s26 =	simm.s32 @p0 $0xB;
	s7 =	simm.s32 @!p0 $0x4;
	[sflag:s6] =	ssyncset.done @p0 $0x0  }
0x6e: {  	s21 =	simm.s32 @!p0 $0x5;
	s23 =	sadd.s32 @p0 $0xC8, s22;
	[sflag:s6] =	ssyncadd.s32 @p0 $0xFFFFCE00  }
0x6f: {  	[tilespmem:s25], [sflag:$0x2] =	stream.indirect.gather @p0 [hbm4b:s5+s19], $0x40, s23, s19, $0xb8;
	[tilespmem:$0x1F400] =	vst v63  }
0x70: {  	s24 =	sadd.s32 @p0 $0x190, s22;
	s7 =	sadd.s32 s4, s7;
	_ =	swait.ge @p0 [sflag:s26], $0x3200  }
0x71: {  	s1 =	smul.u32 $0x640, s7;
	s7 =	simm.s32 @p0 $0xC800;
	[sflag:s26] =	ssyncset.done @p0 $0x0  }
0x72: {  	s6 =	sadd.s32 s4, s21;
	s21 =	simm.s32 @p0 $0xC;
	[sflag:s26] =	ssyncadd.s32 @p0 $0xFFFFCE00  }
0x73: {  	[tilespmem:s7], [sflag:$0x3] =	stream.indirect.gather @p0 [hbm4b:s5+s19], $0x40, s24, s19, $0xb8;
	[tilespmem:$0x1F400] =	vst v63  }
0x74: {  	s8 =	sadd.s32 @p0 $0x3E8, s22;
	s23 =	smov.u32 s30;
	_ =	swait.ge @p0 [sflag:s21], $0x3200  }
0x75: {  	s25 =	simm.s32 @p0 $0xD;
	s23 =	simm.s32 @!p0 $0x6;
	[sflag:s21] =	ssyncset.done @p0 $0x0  }
0x76: {  	s24 =	simm.s32 @p0 $0xFA00;
	[sflag:s21] =	ssyncadd.s32 @p0 $0xFFFFCE00;
	s21 =	sadd.s32 @p0 $0x258, s22  }
0x77: {  	[tilespmem:s24], [sflag:$0x4] =	stream.indirect.gather @p0 [hbm4b:s5+s19], $0x40, s21, s19, $0xb8;
	[tilespmem:$0x1F400] =	vst v63  }
0x78: {  	s20 =	sadd.s32 @p0 $0x4B0, s22;
	s23 =	sadd.s32 s4, s23;
	_ =	swait.ge @p0 [sflag:s25], $0x3200  }
0x79: {  	s7 =	smul.u32 $0x640, s23;
	s23 =	simm.s32 @p0 $0xE;
	[sflag:s25] =	ssyncset.done @p0 $0x0  }
0x7a: {  	s22 =	sadd.s32 @p0 $0x320, s22;
	s21 =	simm.s32 @p0 $0x12C00;
	[sflag:s25] =	ssyncadd.s32 @p0 $0xFFFFCE00  }
0x7b: {  	[tilespmem:s21], [sflag:$0x5] =	stream.indirect.gather @p0 [hbm4b:s5+s19], $0x40, s22, s19, $0xb8;
	[tilespmem:$0x1F400] =	vst v63  }
0x7c: {  	_ =	swait.ge @p0 [sflag:s23], $0x3200  }
0x7d: {  	[sflag:s23] =	ssyncset.done @p0 $0x0  }
0x7e: {  	s21 =	simm.s32 @p0 $0x15E00;
	s22 =	simm.s32 @p0 $0xF;
	[sflag:s23] =	ssyncadd.s32 @p0 $0xFFFFCE00  }
0x7f: {  	[tilespmem:s21], [sflag:$0x6] =	stream.indirect.gather @p0 [hbm4b:s5+s19], $0x40, s8, s19, $0xb8;
	[tilespmem:$0x1F400] =	vst v63  }
0x80: {  	_ =	swait.ge @p0 [sflag:s22], $0x3200  }
0x81: {  	[sflag:s22] =	ssyncset.done @p0 $0x0  }
0x82: {  	s8 =	simm.s32 @p0 $0x19000;
	s21 =	simm.s32 @p0 $0x10;
	[sflag:s22] =	ssyncadd.s32 @p0 $0xFFFFCE00  }
0x83: {  	[tilespmem:s8], [sflag:$0x7] =	stream.indirect.gather @p0 [hbm4b:s5+s19], $0x40, s20, s19, $0xb8;
	[tilespmem:$0x1F400] =	vst v63  }
0x84: {  	_ =	swait.ge @p0 [sflag:s21], $0x3200  }
0x85: {  	s8 =	simm.s32 @!p0 $0xC8;
	[sflag:s21] =	ssyncset.done @p0 $0x0  }
0x86: {  	s19 =	simm.s32 @!p0 $0x0;
	s20 =	simm.s32 @!p0 $0x6400;
	[sflag:s21] =	ssyncadd.s32 @p0 $0xFFFFCE00  }
0x87: {  	[tilespmem:s20], [sflag:$0x1] =	stream.indirect.gather @!p0 [hbm4b:s5+s8], $0x40, s19, s8, $0xb8;
	[tilespmem:$0x1F400] =	vst v63  }
0x88: {  	s19 =	simm.s32 @!p0 $0x9600  }
0x89: {  	[tilespmem:s19], [sflag:$0x2] =	stream.indirect.gather @!p0 [hbm4b:s5+s8], $0x40, s8, s8, $0xb8;
	[tilespmem:$0x1F400] =	vst v63  }
0x8a: {  	s20 =	simm.s32 @!p0 $0xC800;
	s19 =	simm.s32 @!p0 $0x190  }
0x8b: {  	[tilespmem:s20], [sflag:$0x3] =	stream.indirect.gather @!p0 [hbm4b:s5+s8], $0x40, s19, s8, $0xb8;
	[tilespmem:$0x1F400] =	vst v63  }
0x8c: {  	s19 =	simm.s32 @!p0 $0x258;
	s20 =	simm.s32 @!p0 $0xFA00  }
0x8d: {  	[tilespmem:s20], [sflag:$0x4] =	stream.indirect.gather @!p0 [hbm4b:s5+s8], $0x40, s19, s8, $0xb8;
	[tilespmem:$0x1F400] =	vst v63  }
0x8e: {  	s19 =	simm.s32 @!p0 $0x320;
	s20 =	simm.s32 @!p0 $0x12C00  }
0x8f: {  	[tilespmem:s20], [sflag:$0x5] =	stream.indirect.gather @!p0 [hbm4b:s5+s8], $0x40, s19, s8, $0xb8;
	[tilespmem:$0x1F400] =	vst v63  }
0x90: {  	s19 =	simm.s32 @!p0 $0x3E8;
	s20 =	simm.s32 @!p0 $0x15E00  }
0x91: {  	[tilespmem:s20], [sflag:$0x6] =	stream.indirect.gather @!p0 [hbm4b:s5+s8], $0x40, s19, s8, $0xb8;
	[tilespmem:$0x1F400] =	vst v63  }
0x92: {  	s22 =	sshra.s32 s31, $0x2;
	s19 =	simm.s32 @!p0 $0x4B0;
	s20 =	simm.s32 @!p0 $0x19000  }
0x93: {  	[tilespmem:s20], [sflag:$0x7] =	stream.indirect.gather @!p0 [hbm4b:s5+s8], $0x40, s19, s8, $0xb8;
	[tilespmem:$0x1F400] =	vst v63  }
0x94: {  	s9 =	smov.u32 s0;
	s24 =	sadd.s32 $0x578, s22;
	s23 =	rddreg [dreg:$0x3]  }
0x95: {  	[tilespmem:s10], [sflag:$0x8] =	stream.indirect.gather [hbm4b:s5+s23], $0x40, s24, s23, $0xb8;
	[tilespmem:$0x1F400] =	vst v63  }
0x96: {  	s31 =	smov.u32 s9;
	s8 =	sadd.s32 @p0 $0xFFFFFFFB, s30;
	_ =	swait.ge [sflag:s11], $0x3200  }
0x97: {  	s9 =	sadd.s32 @p0 $0xFFFFFFFC, s30;
	s8 =	simm.s32 @!p0 $0x1;
	[sflag:s11] =	ssyncset.done $0x0  }
0x98: {  	s8 =	sadd.s32 s4, s8;
	s25 =	rddreg [dreg:$0x4];
	[sflag:s11] =	ssyncadd.s32 $0xFFFFCE00  }
0x99: {  	[hbm4b:s29+s3] =	stream.linear.scatter [tilespmem:s25], [sflag:$0x9], $0x3200, $0x38;
	[tilespmem:$0x1F400] =	vst v63  }
0x9a: {  	s9 =	simm.s32 @!p0 $0x2;
	s8 =	smul.u32 $0x640, s8;
	_ =	swait.ge [sflag:s12], $0x3200  }
0x9b: {  	s9 =	sadd.s32 s4, s9;
	s19 =	sadd.s32 @p0 $0xFFFFFFFD, s30;
	[sflag:s12] =	ssyncset.done $0x0  }
0x9c: {  	s8 =	sadd.s32 s2, s8;
	s26 =	rddreg [dreg:$0x5];
	[sflag:s12] =	ssyncadd.s32 $0xFFFFCE00  }
0x9d: {  	[hbm4b:s8+s3] =	stream.linear.scatter [tilespmem:s26], [sflag:$0xA], $0x3200, $0x38;
	[tilespmem:$0x1F400] =	vst v63  }
0x9e: {  	s20 =	smul.u32 $0x640, s9;
	s19 =	simm.s32 @!p0 $0x3;
	_ =	swait.ge [sflag:s13], $0x3200  }
0x9f: {  	s22 =	sadd.s32 s4, s19;
	[sflag:s13] =	ssyncset.done $0x0  }
0xa0: {  	s8 =	sadd.s32 s2, s20;
	s21 =	rddreg [dreg:$0x6];
	[sflag:s13] =	ssyncadd.s32 $0xFFFFCE00  }
0xa1: {  	[hbm4b:s8+s3] =	stream.linear.scatter [tilespmem:s21], [sflag:$0xB], $0x3200, $0x38;
	[tilespmem:$0x1F400] =	vst v63  }
0xa2: {  	s8 =	smul.u32 $0x640, s22;
	_ =	swait.ge [sflag:s14], $0x3200  }
0xa3: {  	[sflag:s14] =	ssyncset.done $0x0  }
0xa4: {  	s23 =	rddreg [dreg:$0x7];
	s8 =	sadd.s32 s2, s8;
	[sflag:s14] =	ssyncadd.s32 $0xFFFFCE00  }
0xa5: {  	[hbm4b:s8+s3] =	stream.linear.scatter [tilespmem:s23], [sflag:$0xC], $0x3200, $0x38;
	[tilespmem:$0x1F400] =	vst v63  }
0xa6: {  	_ =	swait.ge [sflag:s15], $0x3200  }
0xa7: {  	[sflag:s15] =	ssyncset.done $0x0  }
0xa8: {  	s1 =	sadd.s32 s2, s1;
	s24 =	rddreg [dreg:$0x8];
	[sflag:s15] =	ssyncadd.s32 $0xFFFFCE00  }
0xa9: {  	[hbm4b:s1+s3] =	stream.linear.scatter [tilespmem:s24], [sflag:$0xD], $0x3200, $0x38;
	[tilespmem:$0x1F400] =	vst v63  }
0xaa: {  	s0 =	sadd.s32 $0x1900, s0;
	s6 =	smul.u32 $0x640, s6;
	_ =	swait.ge [sflag:s16], $0x3200  }
0xab: {  	p1 =	sne.s32 s0, $0x19000;
	[sflag:s16] =	ssyncset.done $0x0  }
0xac: {  	s6 =	sadd.s32 s2, s6;
	s25 =	rddreg [dreg:$0x9];
	[sflag:s16] =	ssyncadd.s32 $0xFFFFCE00  }
0xad: {  	[hbm4b:s6+s3] =	stream.linear.scatter [tilespmem:s25], [sflag:$0xE], $0x3200, $0x38;
	[tilespmem:$0x1F400] =	vst v63  }
.Ltmp0:
0xae: {  	_ = 	snop;
	(pc) =	sbr.rel @p1 .LBB2_2-.Ltmp0, $4  }
0xaf: {  	s7 =	sadd.s32 s2, s7;
	s30 =	sadd.s32 $0x8, s30;
	_ =	swait.ge [sflag:s17], $0x3200  }
0xb0: {  	p0 =	sne.s32 s31, $0x0;
	s1 =	sadd.s32 $0x2BC0, s29;
	[sflag:s17] =	ssyncset.done $0x0  }
0xb1: {  	s29 =	sadd.s32 $0x3200, s29;
	s26 =	rddreg [dreg:$0xa];
	[sflag:s17] =	ssyncadd.s32 $0xFFFFCE00  }
0xb2: {  	[hbm4b:s7+s3] =	stream.linear.scatter [tilespmem:s26], [sflag:$0xF], $0x3200, $0x38;
	[tilespmem:$0x1F400] =	vst v63  }
0xb3: {  	_ =	swait.ge [sflag:s18], $0x3200  }
0xb4: {  	[sflag:s18] =	ssyncset.done $0x0  }
0xb5: {  	s0 =	simm.s32 @p0 $0x9;
	[sflag:s18] =	ssyncadd.s32 $0xFFFFCE00  }
0xb6: {  	[hbm4b:s1+s3] =	stream.linear.scatter [tilespmem:s10], [sflag:$0x10], $0x3200, $0x38;
	[tilespmem:$0x1F400] =	vst v63  }
0xb7: {  	_ =	swait.ge @p0 [sflag:s0], $0x3200  }
0xb8: {  	s6 =	simm.s32 @p0 $0xC8;
	s7 =	simm.s32 @p0 $0xA;
	[sflag:s0] =	ssyncset.done @p0 $0x0  }
0xb9: {  	s1 =	sshra.s32 @p0 s31, $0x2;
	[sflag:s0] =	ssyncadd.s32 @p0 $0xFFFFCE00;
	s0 =	simm.s32 @p0 $0x6400  }
0xba: {  	[tilespmem:s0], [sflag:$0x1] =	stream.indirect.gather @p0 [hbm4b:s5+s6], $0x40, s1, s6, $0xb8;
	[tilespmem:$0x1F400] =	vst v63  }
0xbb: {  	_ =	swait.ge @p0 [sflag:s7], $0x3200  }
0xbc: {  	[sflag:s7] =	ssyncset.done @p0 $0x0  }
0xbd: {  	s0 =	sadd.s32 @p0 $0xC8, s1;
	[sflag:s7] =	ssyncadd.s32 @p0 $0xFFFFCE00;
	s7 =	simm.s32 @p0 $0x9600  }
0xbe: {  	[tilespmem:s7], [sflag:$0x2] =	stream.indirect.gather @p0 [hbm4b:s5+s6], $0x40, s0, s6, $0xb8;
	[tilespmem:$0x1F400] =	vst v63  }
0xbf: {  	s0 =	simm.s32 @p0 $0xB  }
0xc0: {  	_ =	swait.ge @p0 [sflag:s0], $0x3200  }
0xc1: {  	[sflag:s0] =	ssyncset.done @p0 $0x0  }
0xc2: {  	s7 =	sadd.s32 @p0 $0x190, s1;
	[sflag:s0] =	ssyncadd.s32 @p0 $0xFFFFCE00;
	s0 =	simm.s32 @p0 $0xC800  }
0xc3: {  	[tilespmem:s0], [sflag:$0x3] =	stream.indirect.gather @p0 [hbm4b:s5+s6], $0x40, s7, s6, $0xb8;
	[tilespmem:$0x1F400] =	vst v63  }
0xc4: {  	s0 =	simm.s32 @p0 $0xC  }
0xc5: {  	_ =	swait.ge @p0 [sflag:s0], $0x3200  }
0xc6: {  	[sflag:s0] =	ssyncset.done @p0 $0x0  }
0xc7: {  	s7 =	simm.s32 @p0 $0xFA00;
	[sflag:s0] =	ssyncadd.s32 @p0 $0xFFFFCE00;
	s0 =	sadd.s32 @p0 $0x258, s1  }
0xc8: {  	[tilespmem:s7], [sflag:$0x4] =	stream.indirect.gather @p0 [hbm4b:s5+s6], $0x40, s0, s6, $0xb8;
	[tilespmem:$0x1F400] =	vst v63  }
0xc9: {  	s0 =	simm.s32 @p0 $0xD  }
0xca: {  	_ =	swait.ge @p0 [sflag:s0], $0x3200  }
0xcb: {  	[sflag:s0] =	ssyncset.done @p0 $0x0  }
0xcc: {  	s7 =	simm.s32 @p0 $0x12C00;
	[sflag:s0] =	ssyncadd.s32 @p0 $0xFFFFCE00;
	s0 =	sadd.s32 @p0 $0x320, s1  }
0xcd: {  	[tilespmem:s7], [sflag:$0x5] =	stream.indirect.gather @p0 [hbm4b:s5+s6], $0x40, s0, s6, $0xb8;
	[tilespmem:$0x1F400] =	vst v63  }
0xce: {  	s0 =	simm.s32 @p0 $0xE  }
0xcf: {  	_ =	swait.ge @p0 [sflag:s0], $0x3200  }
0xd0: {  	[sflag:s0] =	ssyncset.done @p0 $0x0  }
0xd1: {  	s7 =	sadd.s32 @p0 $0x3E8, s1;
	[sflag:s0] =	ssyncadd.s32 @p0 $0xFFFFCE00;
	s0 =	simm.s32 @p0 $0x15E00  }
0xd2: {  	[tilespmem:s0], [sflag:$0x6] =	stream.indirect.gather @p0 [hbm4b:s5+s6], $0x40, s7, s6, $0xb8;
	[tilespmem:$0x1F400] =	vst v63  }
0xd3: {  	s0 =	simm.s32 @p0 $0xF  }
0xd4: {  	_ =	swait.ge @p0 [sflag:s0], $0x3200  }
0xd5: {  	[sflag:s0] =	ssyncset.done @p0 $0x0  }
0xd6: {  	s1 =	sadd.s32 @p0 $0x4B0, s1;
	[sflag:s0] =	ssyncadd.s32 @p0 $0xFFFFCE00;
	s0 =	simm.s32 @p0 $0x19000  }
0xd7: {  	[tilespmem:s0], [sflag:$0x7] =	stream.indirect.gather @p0 [hbm4b:s5+s6], $0x40, s1, s6, $0xb8;
	[tilespmem:$0x1F400] =	vst v63  }
0xd8: {  	s0 =	simm.s32 @p0 $0x10  }
0xd9: {  	_ =	swait.ge @p0 [sflag:s0], $0x3200  }
0xda: {  	s1 =	simm.s32 @!p0 $0xC8;
	[sflag:s0] =	ssyncset.done @p0 $0x0  }
0xdb: {  	s6 =	simm.s32 @!p0 $0x0;
	[sflag:s0] =	ssyncadd.s32 @p0 $0xFFFFCE00;
	s0 =	simm.s32 @!p0 $0x6400  }
0xdc: {  	[tilespmem:s0], [sflag:$0x1] =	stream.indirect.gather @!p0 [hbm4b:s5+s1], $0x40, s6, s1, $0xb8;
	[tilespmem:$0x1F400] =	vst v63  }
0xdd: {  	s0 =	simm.s32 @!p0 $0x9600  }
0xde: {  	[tilespmem:s0], [sflag:$0x2] =	stream.indirect.gather @!p0 [hbm4b:s5+s1], $0x40, s1, s1, $0xb8;
	[tilespmem:$0x1F400] =	vst v63  }
0xdf: {  	s6 =	simm.s32 @!p0 $0xC800;
	s0 =	simm.s32 @!p0 $0x190  }
0xe0: {  	[tilespmem:s6], [sflag:$0x3] =	stream.indirect.gather @!p0 [hbm4b:s5+s1], $0x40, s0, s1, $0xb8;
	[tilespmem:$0x1F400] =	vst v63  }
0xe1: {  	s0 =	simm.s32 @!p0 $0x258;
	s6 =	simm.s32 @!p0 $0xFA00  }
0xe2: {  	[tilespmem:s6], [sflag:$0x4] =	stream.indirect.gather @!p0 [hbm4b:s5+s1], $0x40, s0, s1, $0xb8;
	[tilespmem:$0x1F400] =	vst v63  }
0xe3: {  	s0 =	simm.s32 @!p0 $0x320;
	s6 =	simm.s32 @!p0 $0x12C00  }
0xe4: {  	[tilespmem:s6], [sflag:$0x5] =	stream.indirect.gather @!p0 [hbm4b:s5+s1], $0x40, s0, s1, $0xb8;
	[tilespmem:$0x1F400] =	vst v63  }
0xe5: {  	s0 =	simm.s32 @!p0 $0x3E8;
	s6 =	simm.s32 @!p0 $0x15E00  }
0xe6: {  	[tilespmem:s6], [sflag:$0x6] =	stream.indirect.gather @!p0 [hbm4b:s5+s1], $0x40, s0, s1, $0xb8;
	[tilespmem:$0x1F400] =	vst v63  }
0xe7: {  	s23 =	sshra.s32 s31, $0x2;
	s0 =	simm.s32 @!p0 $0x4B0;
	s6 =	simm.s32 @!p0 $0x19000  }
0xe8: {  	[tilespmem:s6], [sflag:$0x7] =	stream.indirect.gather @!p0 [hbm4b:s5+s1], $0x40, s0, s1, $0xb8;
	[tilespmem:$0x1F400] =	vst v63  }
0xe9: {  	s22 =	rddreg [dreg:$0x3];
	s1 =	sadd.s32 $0x578, s23  }
0xea: {  	[tilespmem:s10], [sflag:$0x8] =	stream.indirect.gather [hbm4b:s5+s22], $0x40, s1, s22, $0xb8;
	[tilespmem:$0x1F400] =	vst v63  }
0xeb: {  	s1 =	sadd.s32 @p0 $0xFFFFFFFB, s30;
	_ =	swait.ge [sflag:s11], $0x3200  }
0xec: {  	s1 =	simm.s32 @!p0 $0x1;
	[sflag:s11] =	ssyncset.done $0x0  }
0xed: {  	s24 =	rddreg [dreg:$0x4];
	s25 =	sadd.s32 s4, s1;
	[sflag:s11] =	ssyncadd.s32 $0xFFFFCE00  }
0xee: {  	[hbm4b:s29+s3] =	stream.linear.scatter [tilespmem:s24], [sflag:$0x9], $0x3200, $0x38;
	[tilespmem:$0x1F400] =	vst v63  }
0xef: {  	s0 =	smul.u32 $0x640, s25;
	_ =	swait.ge [sflag:s12], $0x3200  }
0xf0: {  	[sflag:s12] =	ssyncset.done $0x0  }
0xf1: {  	s0 =	sadd.s32 s2, s0;
	s26 =	rddreg [dreg:$0x5];
	[sflag:s12] =	ssyncadd.s32 $0xFFFFCE00  }
0xf2: {  	[hbm4b:s0+s3] =	stream.linear.scatter [tilespmem:s26], [sflag:$0xA], $0x3200, $0x38;
	[tilespmem:$0x1F400] =	vst v63  }
0xf3: {  	s0 =	sadd.s32 @p0 $0xFFFFFFFC, s30  }
0xf4: {  	s0 =	simm.s32 @!p0 $0x2  }
0xf5: {  	s0 =	sadd.s32 s4, s0  }
0xf6: {  	_ =	swait.ge [sflag:s13], $0x3200;
	s0 =	smul.u32 $0x640, s0  }
0xf7: {  	[sflag:s13] =	ssyncset.done $0x0  }
0xf8: {  	s31 =	rddreg [dreg:$0x6];
	[sflag:s13] =	ssyncadd.s32 $0xFFFFCE00;
	s0 =	sadd.s32 s2, s0  }
0xf9: {  	[hbm4b:s0+s3] =	stream.linear.scatter [tilespmem:s31], [sflag:$0xB], $0x3200, $0x38;
	[tilespmem:$0x1F400] =	vst v63  }
0xfa: {  	s0 =	sadd.s32 @p0 $0xFFFFFFFD, s30  }
0xfb: {  	s0 =	simm.s32 @!p0 $0x3  }
0xfc: {  	s0 =	sadd.s32 s4, s0  }
0xfd: {  	_ =	swait.ge [sflag:s14], $0x3200;
	s0 =	smul.u32 $0x640, s0  }
0xfe: {  	[sflag:s14] =	ssyncset.done $0x0  }
0xff: {  	s6 =	rddreg [dreg:$0x7];
	[sflag:s14] =	ssyncadd.s32 $0xFFFFCE00;
	s0 =	sadd.s32 s2, s0  }
0x100: {  	[hbm4b:s0+s3] =	stream.linear.scatter [tilespmem:s6], [sflag:$0xC], $0x3200, $0x38;
	[tilespmem:$0x1F400] =	vst v63  }
0x101: {  	s0 =	sadd.s32 @p0 $0xFFFFFFFE, s30  }
0x102: {  	s0 =	simm.s32 @!p0 $0x4  }
0x103: {  	s0 =	sadd.s32 s4, s0  }
0x104: {  	_ =	swait.ge [sflag:s15], $0x3200;
	s0 =	smul.u32 $0x640, s0  }
0x105: {  	[sflag:s15] =	ssyncset.done $0x0  }
0x106: {  	s7 =	rddreg [dreg:$0x8];
	[sflag:s15] =	ssyncadd.s32 $0xFFFFCE00;
	s0 =	sadd.s32 s2, s0  }
0x107: {  	[hbm4b:s0+s3] =	stream.linear.scatter [tilespmem:s7], [sflag:$0xD], $0x3200, $0x38;
	[tilespmem:$0x1F400] =	vst v63  }
0x108: {  	s0 =	sadd.s32 @p0 $0xFFFFFFFF, s30  }
0x109: {  	s0 =	simm.s32 @!p0 $0x5  }
0x10a: {  	s0 =	sadd.s32 s4, s0  }
0x10b: {  	s30 =	simm.s32 @!p0 $0x6;
	_ =	swait.ge [sflag:s16], $0x3200;
	s0 =	smul.u32 $0x640, s0  }
0x10c: {  	s9 =	sadd.s32 s4, s30;
	[sflag:s16] =	ssyncset.done $0x0  }
0x10d: {  	s8 =	rddreg [dreg:$0x9];
	[sflag:s16] =	ssyncadd.s32 $0xFFFFCE00;
	s0 =	sadd.s32 s2, s0  }
0x10e: {  	[hbm4b:s0+s3] =	stream.linear.scatter [tilespmem:s8], [sflag:$0xE], $0x3200, $0x38;
	[tilespmem:$0x1F400] =	vst v63  }
0x10f: {  	s0 =	smul.u32 $0x640, s9;
	_ =	swait.ge [sflag:s17], $0x3200  }
0x110: {  	[sflag:s17] =	ssyncset.done $0x0  }
0x111: {  	s19 =	rddreg [dreg:$0xa];
	s0 =	sadd.s32 s2, s0;
	[sflag:s17] =	ssyncadd.s32 $0xFFFFCE00  }
0x112: {  	[hbm4b:s0+s3] =	stream.linear.scatter [tilespmem:s19], [sflag:$0xF], $0x3200, $0x38;
	[tilespmem:$0x1F400] =	vst v63  }
0x113: {  	_ =	swait.ge [sflag:s18], $0x3200  }
0x114: {  	[sflag:s18] =	ssyncset.done $0x0  }
0x115: {  	s20 =	sadd.s32 $0x2BC0, s29;
	s21 =	simm.s32 $0x9;
	[sflag:s18] =	ssyncadd.s32 $0xFFFFCE00  }
0x116: {  	[hbm4b:s20+s3] =	stream.linear.scatter [tilespmem:s10], [sflag:$0x10], $0x3200, $0x38;
	[tilespmem:$0x1F400] =	vst v63  }
0x117: {  	_ =	swait.ge [sflag:s21], $0x3200  }
0x118: {  	[sflag:s21] =	ssyncset.done $0x0  }
0x119: {  	s22 =	simm.s32 $0xA;
	[sflag:s21] =	ssyncadd.s32 $0xFFFFCE00  }
0x11a: {  	_ =	swait.ge [sflag:s22], $0x3200  }
0x11b: {  	[sflag:s22] =	ssyncset.done $0x0  }
0x11c: {  	s23 =	simm.s32 $0xB;
	[sflag:s22] =	ssyncadd.s32 $0xFFFFCE00  }
0x11d: {  	_ =	swait.ge [sflag:s23], $0x3200  }
0x11e: {  	[sflag:s23] =	ssyncset.done $0x0  }
0x11f: {  	s24 =	simm.s32 $0xC;
	[sflag:s23] =	ssyncadd.s32 $0xFFFFCE00  }
0x120: {  	_ =	swait.ge [sflag:s24], $0x3200  }
0x121: {  	[sflag:s24] =	ssyncset.done $0x0  }
0x122: {  	s25 =	simm.s32 $0xD;
	[sflag:s24] =	ssyncadd.s32 $0xFFFFCE00  }
0x123: {  	_ =	swait.ge [sflag:s25], $0x3200  }
0x124: {  	[sflag:s25] =	ssyncset.done $0x0  }
0x125: {  	s26 =	simm.s32 $0xE;
	[sflag:s25] =	ssyncadd.s32 $0xFFFFCE00  }
0x126: {  	_ =	swait.ge [sflag:s26], $0x3200  }
0x127: {  	[sflag:s26] =	ssyncset.done $0x0  }
0x128: {  	s29 =	simm.s32 $0xF;
	[sflag:s26] =	ssyncadd.s32 $0xFFFFCE00  }
0x129: {  	_ =	swait.ge [sflag:s29], $0x3200  }
0x12a: {  	[sflag:s29] =	ssyncset.done $0x0  }
0x12b: {  	s30 =	simm.s32 $0x10;
	[sflag:s29] =	ssyncadd.s32 $0xFFFFCE00  }
0x12c: {  	_ =	swait.ge [sflag:s30], $0x3200  }
0x12d: {  	s28 =	sadd.s32 $0x1, s28;
	s31 =	rddreg [dreg:$0xc]  }
0x12e: {  	p0 =	sne.s32 s28, s31  }
.Ltmp1:
0x12f: {  	_ = 	snop;
	(pc) =	sbr.rel @p0 .LBB2_1-.Ltmp1, $3  }
0x130: {  	_ =	sdelay $0x1  }
0x131: {  	[sflag:s30] =	ssyncset.done $0x0  }
0x132: {  	[sflag:s30] =	ssyncadd.s32 $0xFFFFCE00  }
0x133: {  	_ =	sfence.sel $0x180000  }
0x134: {  	[bflag:$0x0] =	sbarrier.arrive $0xFFFF  }
0x135: {  	_ =	strace $0x90000047  }
0x136: {  	s0 =	stileid.u32;
	[bflag:$0x2] =	sbarrier.arrive $0xFFFF  }
0x137: {  	p0 =	sne.s32 s0, $0x0;
	s0 =	rddreg [dreg:$0x2]  }
0x138: {  	s0 =	sadd.s32 @!p0 $0x100000, s0  }
0x139: {  	[sflag:s0] =	ssyncadd.tile.s32 @!p0 $0x1;
	_ =	shalt  }
.Lfunc_end2:
_tile_overlayer_lowered:
.L_overlay_start_2:
0x13a: {  	(tag) =	ssettag $0x2  }
0x13b: {  	s0 =	rddreg [dreg:$0x0];
	s2 =	stileid.u32  }
0x13c: {  	s1 =	rddreg [dreg:$0x1];
	p0 =	sne.s32 s2, $0x0  }
0x13d: {  	s3 =	rddreg [dreg:$0x2];
	[bflag:$0x3] =	sbarrier.arrive $0xFFFF;
	s2 =	simm.s32 @!p0 $0x1C11  }
0x13e: {  	[timem:s3], [sflag:s2] =	dma.local @!p0 [hbm:s0], s1  }
0x13f: {  	s0 =	simm.s32 @!p0 $0x11  }
0x140: {  	_ =	swait.ge @!p0 [sflag:s0], s1  }
0x141: {  	s1 =	ssub.s32 @!p0 $0x0, s1;
	[sflag:s0] =	ssyncset.done @!p0 $0x0  }
0x142: {  	[sflag:s0] =	ssyncadd.s32 @!p0 s1  }
0x143: {  	[bflag:$0x3] =	sbarrier.arrive $0xFFFF  }
0x144: {  	_ =	shalt  }

// kernel: sparse-core-data-format-call.cloned.1.call-start
scs
called_computation_lowered:
.L_overlay_start_0:
0x0: {  	s2 =	sld [smem:$0x3FD9]  }
0x1: {  	s3 =	sld [smem:$0x3FFE];
	_ =	sdelay $0x1  }
0x2: {  	s1 =	srdreg.scid  }
0x3: {  	s0 =	sand.u32 $0x1, s1  }
0x4: {  	s18 =	sshll.u32 s0, $0xA;
	s2 =	sadd.s32 s3, s2  }
0x5: {  	s2 =	sadd.s32 s2, s18  }
0x6: {  	[smem:$0x3FC6] =	sst s2  }
0x7: {  	_ = 	snop  }
0x8: {  	s2 =	sld [smem:$0x3FD0];
	(tm) =	ssettm $0x1  }
0x9: {  	s19 =	sld [smem:$0x3FFB];
	_ =	sdelay $0x3  }
0xa: {  	_ =	strace s19  }
0xb: {  	s3 =	sld [smem:$0x3FFC];
	_ =	sdelay $0x3  }
0xc: {  	_ =	strace s3  }
0xd: {  	s3 =	sld [smem:$0x3FFD];
	_ =	sdelay $0x3  }
0xe: {  	_ =	strace s3  }
0xf: {  	_ =	strace $0x8FFFFFFF  }
0x10: {  	s20 =	sld [smem:$0x3FDB];
	_ =	sdelay $0x1  }
0x11: {  	s4 =	simm.s32 $_scs_section_size  }
0x12: {  	s5 =	simm.s32 $_size__tile_overlayer_lowered;
	s6 =	simm.s32 $_tile_overlayer_lowered  }
0x13: {  	s23 =	simm.s32 $0x1BFF;
	s22 =	sshll.u32 s6, $0x1;
	s3 =	sadd.s32 s4, s20  }
0x14: {  	s7 =	simm.s32 $0x0;
	s21 =	sshll.u32 s5, $0x1;
	s5 =	sadd.s32 s22, s3  }
0x15: {  	[timem:s7], [sflag:s23] =	dma.local [hbm:s5], s21  }
0x16: {  	_ =	swait.ge [sflag:s23], s21  }
0x17: {  	s4 =	ssub.s32 $0x0, s21;
	[sflag:s23] =	ssyncset.done $0x0  }
0x18: {  	[sflag:s23] =	ssyncadd.s32 s4;
	_ =	sdelay $0x1  }
0x19: {  	s24 =	simm.s32 $0x1B8B  }
0x1a: {  	_ =	swait.ge [sflag:s24], $0x1  }
0x1b: {  	[sflag:s24] =	ssyncset.done $0x0  }
0x1c: {  	s26 =	simm.s32 $0x1B8E;
	s25 =	sld [smem:$0x3FFE];
	[sflag:s24] =	ssyncadd.s32 $0xFFFFFFFF  }
0x1d: {  	s27 =	simm.s32 $execute0_lowered;
	[smem:$0x3FD2] =	sst s26  }
0x1e: {  	s5 =	sshll.u32 s27, $0x1;
	_ =	strace $0x80000049;
	[dreg:$0x1] =	wrdreg $0xFFFFFFFF  }
0x1f: {  	s28 =	simm.s32 $_size_execute0_lowered;
	s3 =	sadd.s32 s3, s5;
	[dreg:$0x0] =	wrdreg $0x0  }
0x20: {  	s5 =	sshll.u32 s28, $0x1;
	[dreg:$0x2] =	wrdreg s3  }
0x21: {  	[dreg:$0x3] =	wrdreg s5  }
0x22: {  	[dreg:$0x4] =	wrdreg $0xC0  }
0x23: {  	_ =	task [dreg:s7], $0x5FFFF  }
0x24: {  	[dreg:$0x1] =	wrdreg $0xFFFFFFFF  }
0x25: {  	[dreg:$0x0] =	wrdreg $0x60  }
0x26: {  	[dreg:$0x2] =	wrdreg s25  }
0x27: {  	[dreg:$0x3] =	wrdreg s2  }
0x28: {  	[dreg:$0x4] =	wrdreg $0x9  }
0x29: {  	_ =	task.clear_ibuf [dreg:s7], $0x5FFFF;
	_ =	strace $0x90000049  }
0x2a: {  	s29 =	simm.s32 $0x9;
	_ =	strace $0x8000004B  }
0x2b: {  	_ =	swait.ge [sflag:s29], $0x1  }
0x2c: {  	[sflag:s29] =	ssyncadd.s32 $0xFFFFFFFF  }
0x2d: {  	_ =	strace $0x9000004B  }
0x2e: {  	_ =	sfence  }
0x2f: {  	s30 =	sld [smem:$0x0];
	_ =	sdelay $0x2  }
0x30: {  	s31 =	sshll.u32 s1, $0xD;
	s1 =	sshrl.u32 s1, $0x2  }
0x31: {  	s3 =	sand.u32 $0x4000, s31;
	s1 =	sadd.s32 s1, s30  }
0x32: {  	s0 =	sor.u32 s3, s0;
	s1 =	sshll.u32 s1, $0x11  }
0x33: {  	s0 =	sor.u32 s1, s0  }
0x34: {  	s0 =	sadd.s32 $0x8F2B, s0  }
0x35: {  	[sflag:s0] =	ssyncadd.remote.s32 $0x1  }
0x36: {  	_ =	sfence.sel $0xFFFF  }
0x37: {  	[dreg:$0x0] =	wrdreg $0xFFFFFFFF;
	(pc) =	sbr.abs _section_cstart, $3  }
0x38: {  	[dreg:$0x1] =	wrdreg $0xFFFFFFFF  }
0x39: {  	_ =	task.clear_ibuf [dreg:s7], $0x2FFFF;
	_ =	strace $0x9FFFFFFF  }
0x3a: {  	(tm) =	ssettm $0x7FFFFFFF  }
0x3b: {  	_ =	shalt  }
tec
execute0_lowered:
.L_overlay_start_1:
0x0: {  	(tag) =	ssettag $0x1  }
0x1: {  	s0 =	srdreg.scid  }
0x2: {  	s1 =	sshll.u32 s0, $0x4  }
0x3: {  	s0 =	stileid.u32;
	s1 =	sand.u32 $0x10, s1  }
0x4: {  	s1 =	sor.u32 s0, s1  }
0x5: {  	s6 =	rddreg [dreg:$0x0];
	s4 =	simm.s32 $0x1;
	s2 =	sshll.u32 s1, $0x7  }
0x6: {  	s7 =	simm.s32 $0x2;
	s12 =	simm.s32 $0x0;
	s1 =	ssub.s32 $0x1000, s2  }
0x7: {  	s8 =	simm.s32 $0x8000;
	s13 =	simm.s32 $0x0;
	s3 =	sand.u32 $0xF80, s1  }
0x8: {  	s9 =	simm.s32 $0x0;
	s5 =	sshrl.u32 s1, $0xC;
	p0 =	sne.s32 s3, $0x0  }
.Ltmp0:
0x9: {  	s1 =	rddreg [dreg:$0x2];
	s4 =	simm.s32 @!p0 $0x0;
	(pc) =	sbr.rel .LBB1_1-.Ltmp0, $4  }
0xa: {  	s11 =	simm.s32 $0x0;
	s3 =	rddreg [dreg:$0x1];
	s5 =	sadd.s32 s4, s5  }
0xb: {  	_ =	strace $0x8000004A;
	s4 =	simm.s32 $0x1;
	s5 =	smul.u32 $0xC8, s5  }
0xc: {  	s6 =	sadd.s32 $0xA00, s6;
	s10 =	smov.u32 s2;
	[sflag:s4] =	ssyncpa.u1 $0x0  }
0xd: {  	p0 =	por $0x0, $0x0;
	[sflag:s7] =	ssyncpa.u1 $0x0;
	s7 =	sor.u32 $0x1, s5  }
.LBB1_4:
0xe: {  	s16 =	sshll.u32 s13, $0x3;
	s17 =	sand.u32 $0x78, s13  }
0xf: {  	s30 =	sand.u32 $0x7E00, s13;
	s12 =	sshll.u32 s12, $0xF;
	s16 =	sand.u32 $0xC00, s16  }
0x10: {  	[tilespmem:s15+$0x810 ss:$0x81] =	vst.msk $0xffff, v2;
	s31 =	sand.u32 $0x7, s13;
	s16 =	sor.u32 s17, s16;
	s17 =	sadd.s32 s3, s30  }
0x11: {  	[tilespmem:s15+$0x1020 ss:$0x81] =	vst.msk $0xffff, v0;
	s13 =	sshll.u32 s31, $0x12;
	s12 =	sadd.s32 s12, s17;
	s16 =	sshrl.u32 s16, $0x3  }
0x12: {  	[tilespmem:s15+$0x0 ss:$0x81] =	vst.msk $0xffff, v1;
	s13 =	sor.u32 $0x400, s13;
	s12 =	sadd.s32 s16, s12  }
0x13: {  	[hbm4b:s12+s13] =	stream.strided.scatter [tilespmem:s14], [sflag:$0x2], $0x2000, s8, s13, $0x20;
	[tilespmem:$0x8080] =	vst v63  }
.LBB1_5:
0x14: {  	s14 =	sadd.s32 $0x1, s9  }
0x15: {  	s12 =	sadd.s32 $0x1000, s10;
	s16 =	smov.u32 s10;
	p2 =	sgt.s32 s14, $0xC7  }
0x16: {  	s16 =	smov.u32 @p2 s12  }
0x17: {  	s14 =	simm.s32 @p2 $0x0;
	p2 =	sgt.s32 s16, $0xFFF  }
0x18: {  	s16 =	smov.u32 @p2 s2;
	p2 =	sne.s32 s11, s7  }
.Ltmp1:
0x19: {  	p1 =	slt.u32 s11, $0x2;
	(pc) =	sbr.rel @!p2 .LBB1_6-.Ltmp1, $4  }
0x1a: {  	s15 =	simm.s32 @!p1 $0x2  }
0x1b: {  	s13 =	smov.u32 s10;
	p0 =	por !p0, !p0;
	_ =	swait.ge @!p1 [sflag:s15], $0x2000  }
0x1c: {  	s12 =	smov.u32 s9;
	[sflag:s15] =	ssyncset.done @!p1 $0x0;
	s9 =	smov.u32 s14  }
0x1d: {  	s11 =	sadd.s32 $0x1, s11;
	[sflag:s15] =	ssyncadd.s32 @!p1 $0xFFFFE000;
	s10 =	smov.u32 s16  }
.LBB1_1:
0x1e: {  	p1 =	sge.u32 s11, s5  }
0x1f: {  	s14 =	sand.u32 @!p1 $0x1FFFFFF, s9  }
0x20: {  	s15 =	smulhi.u32 @!p1 $0x147AE15, s14;
	_ =	sdelay $0x1  }
0x21: {  	s15 =	smul.u32 @!p1 $0xC8, s15  }
0x22: {  	s16 =	sxor.u32 @!p1 $0xFFFFFFFF, s11;
	s17 =	smul.u32 @!p1 $0xC80, s10  }
0x23: {  	s31 =	sadd.s32 $0xFFFFFFFF, s11;
	s16 =	sshll.u32 @!p1 s16, $0xD;
	s14 =	ssub.s32 @!p1 s14, s15  }
0x24: {  	s15 =	sand.u32 @!p1 $0x2000, s16;
	s16 =	sadd.s32 @!p1 s6, s17;
	s14 =	sshll.u32 @!p1 s14, $0x4  }
0x25: {  	s17 =	simm.s32 @!p1 $0x6400;
	s14 =	sadd.s32 @!p1 s14, s16;
	s16 =	simm.s32 @!p1 $0x40  }
0x26: {  	[tilespmem:s15], [sflag:$0x1] =	stream.strided.gather @!p1 [hbm4b:s14+s16], $0x2000, s17, s16, $0x38;
	[tilespmem:$0x8080] =	vst v63  }
0x27: {  	p1 =	sge.u32 s31, s5  }
.Ltmp2:
0x28: {  	_ = 	snop;
	(pc) =	sbr.rel @p1 .LBB1_5-.Ltmp2, $1  }
0x29: {  	_ =	sdelay $0x3  }
0x2a: {  	s14 =	simm.s32 $0x1  }
0x2b: {  	_ =	swait.ge [sflag:s4], $0x2000;
	s14 =	simm.s32 @!p0 $0x0  }
0x2c: {  	[sflag:s4] =	ssyncset.done $0x0;
	s15 =	sshll.u32 s14, $0xD  }
0x2d: {  	[sflag:s4] =	ssyncadd.s32 $0xFFFFE000;
	s18 =	sor.u32 $0x20, s15  }
0x2e: {  	s14 =	smul.u32 $0x8100, s14;
	v3 =	vld [tilespmem:s18+$0x10]  }
0x2f: {  	s30 =	sand.u32 $0x1, s11;
	v2 =	vld [tilespmem:s18+$0xFFFFFFF0]  }
0x30: {  	s15 =	smul.u32 $0x8100, s30;
	s14 =	sshrl.u32 s14, $0x2;
	v0 =	vld [tilespmem:s18+$0x0]  }
0x31: {  	v1 =	vld [tilespmem:s18+$0xFFFFFFE0];
	s16 =	sor.u32 $0x4000, s14  }
0x32: {  	s31 =	sshrl.u32 s15, $0x2;
	s15 =	sadd.s32 $0x0, s16  }
0x33: {  	s17 =	simm.s32 $0x4;
	s18 =	sadd.s32 $0x40, s18;
	s14 =	sor.u32 $0x4000, s31;
	[tilespmem:s15+$0x1830 ss:$0x81] =	vst.msk $0xffff, v3  }
.LBB1_3:
0x34: {  	v3 =	vld [tilespmem:s18+$0x10];
	p1 =	sne.s32 s17, $0x1FC;
	[tilespmem:s15+$0x810 ss:$0x81] =	vst.msk $0xffff, v2;
	s19 =	smov.u32 s17;
	s17 =	sadd.s32 $0x4, s17  }
.Ltmp3:
0x35: {  	v2 =	vld [tilespmem:s18+$0xFFFFFFF0];
	[tilespmem:s15+$0x1020 ss:$0x81] =	vst.msk $0xffff, v0;
	(pc) =	sbr.rel @p1 .LBB1_3-.Ltmp3, $4  }
0x36: {  	v0 =	vld [tilespmem:s18+$0x0];
	[tilespmem:s15+$0x0 ss:$0x81] =	vst.msk $0xffff, v1  }
0x37: {  	s15 =	sshra.s32 s19, $0x2;
	v1 =	vld [tilespmem:s18+$0xFFFFFFE0]  }
0x38: {  	s15 =	sadd.s32 s15, s16  }
0x39: {  	s18 =	sadd.s32 $0x40, s18;
	[tilespmem:s15+$0x1830 ss:$0x81] =	vst.msk $0xffff, v3  }
.Ltmp4:
0x3a: {  	_ = 	snop;
	(pc) =	sbr.rel .LBB1_4-.Ltmp4, $1  }
0x3b: {  	_ =	sdelay $0x3  }
.LBB1_6:
0x3c: {  	_ =	sfence.sel $0x180000  }
0x3d: {  	s2 =	simm.s32 $0x1;
	[bflag:$0x0] =	sbarrier.arrive $0xFFFF  }
0x3e: {  	s31 =	simm.s32 $0x2;
	[sflag:s2] =	ssyncpa.u1 $0x1  }
0x3f: {  	[sflag:s31] =	ssyncpa.u1 $0x1  }
0x40: {  	p0 =	sne.s32 s0, $0x0;
	_ =	strace $0x9000004A  }
0x41: {  	s0 =	sadd.s32 @!p0 $0x100000, s1;
	[bflag:$0x2] =	sbarrier.arrive $0xFFFF  }
0x42: {  	[sflag:s0] =	ssyncadd.tile.s32 @!p0 $0x1;
	_ =	shalt  }
.Lfunc_end1:
_tile_overlayer_lowered:
.L_overlay_start_2:
0x43: {  	(tag) =	ssettag $0x2  }
0x44: {  	s0 =	rddreg [dreg:$0x0];
	s2 =	stileid.u32  }
0x45: {  	s1 =	rddreg [dreg:$0x1];
	p0 =	sne.s32 s2, $0x0  }
0x46: {  	s3 =	rddreg [dreg:$0x2];
	[bflag:$0x3] =	sbarrier.arrive $0xFFFF;
	s2 =	simm.s32 @!p0 $0x1C01  }
0x47: {  	[timem:s3], [sflag:s2] =	dma.local @!p0 [hbm:s0], s1  }
0x48: {  	s0 =	simm.s32 @!p0 $0x1  }
0x49: {  	_ =	swait.ge @!p0 [sflag:s0], s1  }
0x4a: {  	s1 =	ssub.s32 @!p0 $0x0, s1;
	[sflag:s0] =	ssyncset.done @!p0 $0x0  }
0x4b: {  	[sflag:s0] =	ssyncadd.s32 @!p0 s1  }
0x4c: {  	[bflag:$0x3] =	sbarrier.arrive $0xFFFF  }
0x4d: {  	_ =	shalt  }

</sc_bundles>
